<compile_context>
chip_gen: v7x
topology: tpu7x:2x2x1
jax: 0.10.2.dev20260603
libtpu: 0.0.44.dev20260713+nightly
codegen_flags: <defaults>
</compile_context>

<pallas_src>
import functools

import jax
import jax.numpy as jnp
from jax import lax
from jax.experimental import pallas as pl
from jax.experimental.pallas import tpu as pltpu
from jax.experimental.pallas import tpu_sc as plsc

_BATCH = 16384
_NCLS = 1000
_LANES = 16
_NCORES = 2
_NSUB = 16
_NTILES = _NCORES * _NSUB
_COLS_PER_TILE = _BATCH // _NTILES
_NGRP = _COLS_PER_TILE // _LANES
_CCHUNK = 40
_NCHUNK = _NCLS // _CCHUNK
_UNROLL = 4


def _onehot_body(labels_hbm, out_hbm, labels_v, buf0, buf1, sem0, sem1, seml):
    wid = lax.axis_index("s") * _NCORES + lax.axis_index("c")
    base = wid * _COLS_PER_TILE

    lbl_copy = pltpu.async_copy(
        labels_hbm.at[pl.ds(base, _COLS_PER_TILE)], labels_v, seml
    )

    zeros16 = jnp.zeros((_LANES,), jnp.float32)
    ones16 = jnp.ones((_LANES,), jnp.float32)
    iota16 = lax.iota(jnp.int32, _LANES)

    def _zero_buf(buf):
        def _row(r, carry):
            for off in range(0, _COLS_PER_TILE, _LANES):
                buf[r, pl.ds(off, _LANES)] = zeros16
            return carry

        lax.fori_loop(0, _CCHUNK, _row, 0)

    def _scatter_pass(buf, c0_set, c0_restore):
        def _step(i, carry):
            for j in range(_UNROLL):
                g = i * _UNROLL + j
                col = g * _LANES + iota16
                lbl = labels_v[pl.ds(g * _LANES, _LANES)]
                if c0_restore is not None:
                    rel = lbl - c0_restore
                    m = rel.astype(jnp.uint32) < jnp.uint32(_CCHUNK)
                    plsc.store_scatter(buf, [rel, col], zeros16, mask=m)
                rel = lbl - c0_set
                m = rel.astype(jnp.uint32) < jnp.uint32(_CCHUNK)
                plsc.store_scatter(buf, [rel, col], ones16, mask=m)
            return carry

        lax.fori_loop(0, _NGRP // _UNROLL, _step, 0)

    def _dma(buf, c0, sem):
        return pltpu.async_copy(
            buf,
            out_hbm.at[pl.ds(c0, _CCHUNK), pl.ds(base, _COLS_PER_TILE)],
            sem,
        )

    def _wait(buf, sem):
        pltpu.make_async_copy(
            buf,
            out_hbm.at[pl.ds(0, _CCHUNK), pl.ds(base, _COLS_PER_TILE)],
            sem,
        ).wait()

    _zero_buf(buf0)
    lbl_copy.wait()
    _scatter_pass(buf0, 0, None)
    _dma(buf0, 0, sem0)
    _zero_buf(buf1)
    _scatter_pass(buf1, _CCHUNK, None)
    _dma(buf1, _CCHUNK, sem1)

    def _pair(p, carry):
        c0 = 2 * p * _CCHUNK
        _wait(buf0, sem0)
        _scatter_pass(buf0, c0, c0 - 2 * _CCHUNK)
        _dma(buf0, c0, sem0)
        _wait(buf1, sem1)
        _scatter_pass(buf1, c0 + _CCHUNK, c0 - _CCHUNK)
        _dma(buf1, c0 + _CCHUNK, sem1)
        return carry

    lax.fori_loop(1, (_NCHUNK - 1) // 2, _pair, 0)

    c_last = (_NCHUNK - 1) * _CCHUNK
    _wait(buf0, sem0)
    _scatter_pass(buf0, c_last, c_last - 2 * _CCHUNK)
    _dma(buf0, c_last, sem0).wait()
    _wait(buf1, sem1)


_onehot_t = functools.partial(
    pl.kernel,
    out_type=jax.ShapeDtypeStruct((_NCLS, _BATCH), jnp.float32),
    mesh=plsc.VectorSubcoreMesh(core_axis_name="c", subcore_axis_name="s"),
    compiler_params=pltpu.CompilerParams(
        needs_layout_passes=False, use_tc_tiling_on_sc=True
    ),
    scratch_types=[
        pltpu.VMEM((_COLS_PER_TILE,), jnp.int32),
        pltpu.VMEM((_CCHUNK, _COLS_PER_TILE), jnp.float32),
        pltpu.VMEM((_CCHUNK, _COLS_PER_TILE), jnp.float32),
        pltpu.SemaphoreType.DMA,
        pltpu.SemaphoreType.DMA,
        pltpu.SemaphoreType.DMA,
    ],
)(_onehot_body)


def kernel(labels):
    return _onehot_t(labels.astype(jnp.int32)).T

# --- scband reference (transcript-rebuilt; emitter-appended) ---
"""Pipeline reference for scband-one-hot-74680891343239 (READ-ONLY COPY).

The authoritative reference and input builder live on the scoring server;
editing this copy changes nothing except your own understanding.
"""

import jax, jax.numpy as jnp
import numpy as np

N_CLASSES = 1000
BATCH = 16384

def setup_inputs(seed: int = 0) -> dict:
    key = jax.random.key(seed)
    labels = jax.random.randint(key, (BATCH,), 0, N_CLASSES, dtype=jnp.int64 if jax.config.jax_enable_x64 else jnp.int32)
    return {"labels": labels}

def reference(labels):
    # Faithful translation of torch F.one_hot(labels, num_classes=n_classes).float()
    out = jax.nn.one_hot(labels, N_CLASSES, dtype=jnp.float32)
    return out

if __name__ == "__main__":
    import jax
    _d = setup_inputs()
    print(jax.jit(kernel)(*tuple(_d.values())))

</pallas_src>

<mosaic_0001>
#map = affine_map<(d0, d1) -> (0)>
#map1 = affine_map<(d0, d1) -> (0, 0)>
module attributes {stable_mosaic.version = 14 : i64} {
  func.func @_onehot_body(%arg0: i32, %arg1: i32, %arg2: memref<16384xi32, #tpu.memory_space<hbm>>, %arg3: memref<1000x16384xf32, #tpu.memory_space<hbm>>, %arg4: memref<512xi32, #tpu.memory_space<vmem>>, %arg5: memref<40x512xf32, #tpu.memory_space<vmem>>, %arg6: memref<40x512xf32, #tpu.memory_space<vmem>>, %arg7: memref<!tpu.dma_semaphore, #tpu.memory_space<semaphore_mem>>, %arg8: memref<!tpu.dma_semaphore, #tpu.memory_space<semaphore_mem>>, %arg9: memref<!tpu.dma_semaphore, #tpu.memory_space<semaphore_mem>>) attributes {dimension_semantics = [#tpu.dimension_semantics<core_parallel>, #tpu.dimension_semantics<subcore_parallel>], iteration_bounds = array<i64: 2, 16>, scalar_prefetch = 0 : i64, scratch_operands = 6 : i64, tpu.core_type = #tpu.core_type<sc_vector_subcore>, window_params = [{transform_indices = #map}, {transform_indices = #map1}]} {
    %mul3A = arith.constant 2 : i32
    %mul3A_0 = arith.muli %arg1, %mul3A : i32
    %add3A = arith.addi %mul3A_0, %arg0 : i32
    %mul3A_1 = arith.constant 512 : i32
    %mul3A_2 = arith.muli %add3A, %mul3A_1 : i32
    %dma_start3A = tpu.memref_slice %arg2[%mul3A_2] : memref<16384xi32, #tpu.memory_space<hbm>> -> memref<512xi32, #tpu.memory_space<hbm>>
    %dma_start3A_3 = tpu.memref_slice %arg2[%mul3A_2] : memref<16384xi32, #tpu.memory_space<hbm>> -> memref<512xi32, #tpu.memory_space<hbm>>
    tpu.enqueue_dma source(%dma_start3A_3 : memref<512xi32, #tpu.memory_space<hbm>>) target(%arg4 : memref<512xi32, #tpu.memory_space<vmem>>) target_semaphore(%arg9 : memref<!tpu.dma_semaphore, #tpu.memory_space<semaphore_mem>>)
    %broadcast_in_dim3A = arith.constant 0.000000e+00 : f32
    %broadcast_in_dim3A_4 = vector.broadcast %broadcast_in_dim3A : f32 to vector<16xf32>
    %broadcast_in_dim3A_5 = arith.constant 1.000000e+00 : f32
    %broadcast_in_dim3A_6 = vector.broadcast %broadcast_in_dim3A_5 : f32 to vector<16xf32>
    %iota3A = tpu.iota {dimensions = array<i32: 0>} : vector<16xi32>
    %scan3A = arith.constant 0 : i32
    %scan3A_7 = arith.constant 0 : i32
    %scan3A_8 = arith.constant 40 : i32
    %scan3A_9 = arith.addi %scan3A_7, %scan3A_8 : i32
    %scan3A_10 = arith.constant 1 : i32
    scf.for %scan3A_67 = %scan3A_7 to %scan3A_9 step %scan3A_10  : i32 {
      %swap3A = arith.index_cast %scan3A_67 : i32 to index
      %swap3A_68 = arith.constant 0 : index
      %swap3A_69 = tpu.vector_load %arg5[%swap3A, %swap3A_68] {strides = array<i32>} : memref<40x512xf32, #tpu.memory_space<vmem>>, vector<16xf32>,
      tpu.vector_store %arg5[%swap3A, %swap3A_68], %broadcast_in_dim3A_4 {strides = array<i32>} : memref<40x512xf32, #tpu.memory_space<vmem>>, vector<16xf32>,
      %swap3A_70 = arith.index_cast %scan3A_67 : i32 to index
      %swap3A_71 = arith.constant 16 : index
      %swap3A_72 = tpu.vector_load %arg5[%swap3A_70, %swap3A_71] {strides = array<i32>} : memref<40x512xf32, #tpu.memory_space<vmem>>, vector<16xf32>,
      tpu.vector_store %arg5[%swap3A_70, %swap3A_71], %broadcast_in_dim3A_4 {strides = array<i32>} : memref<40x512xf32, #tpu.memory_space<vmem>>, vector<16xf32>,
      %swap3A_73 = arith.index_cast %scan3A_67 : i32 to index
      %swap3A_74 = arith.constant 32 : index
      %swap3A_75 = tpu.vector_load %arg5[%swap3A_73, %swap3A_74] {strides = array<i32>} : memref<40x512xf32, #tpu.memory_space<vmem>>, vector<16xf32>,
      tpu.vector_store %arg5[%swap3A_73, %swap3A_74], %broadcast_in_dim3A_4 {strides = array<i32>} : memref<40x512xf32, #tpu.memory_space<vmem>>, vector<16xf32>,
      %swap3A_76 = arith.index_cast %scan3A_67 : i32 to index
      %swap3A_77 = arith.constant 48 : index
      %swap3A_78 = tpu.vector_load %arg5[%swap3A_76, %swap3A_77] {strides = array<i32>} : memref<40x512xf32, #tpu.memory_space<vmem>>, vector<16xf32>,
      tpu.vector_store %arg5[%swap3A_76, %swap3A_77], %broadcast_in_dim3A_4 {strides = array<i32>} : memref<40x512xf32, #tpu.memory_space<vmem>>, vector<16xf32>,
      %swap3A_79 = arith.index_cast %scan3A_67 : i32 to index
      %swap3A_80 = arith.constant 64 : index
      %swap3A_81 = tpu.vector_load %arg5[%swap3A_79, %swap3A_80] {strides = array<i32>} : memref<40x512xf32, #tpu.memory_space<vmem>>, vector<16xf32>,
      tpu.vector_store %arg5[%swap3A_79, %swap3A_80], %broadcast_in_dim3A_4 {strides = array<i32>} : memref<40x512xf32, #tpu.memory_space<vmem>>, vector<16xf32>,
      %swap3A_82 = arith.index_cast %scan3A_67 : i32 to index
      %swap3A_83 = arith.constant 80 : index
      %swap3A_84 = tpu.vector_load %arg5[%swap3A_82, %swap3A_83] {strides = array<i32>} : memref<40x512xf32, #tpu.memory_space<vmem>>, vector<16xf32>,
      tpu.vector_store %arg5[%swap3A_82, %swap3A_83], %broadcast_in_dim3A_4 {strides = array<i32>} : memref<40x512xf32, #tpu.memory_space<vmem>>, vector<16xf32>,
      %swap3A_85 = arith.index_cast %scan3A_67 : i32 to index
      %swap3A_86 = arith.constant 96 : index
      %swap3A_87 = tpu.vector_load %arg5[%swap3A_85, %swap3A_86] {strides = array<i32>} : memref<40x512xf32, #tpu.memory_space<vmem>>, vector<16xf32>,
      tpu.vector_store %arg5[%swap3A_85, %swap3A_86], %broadcast_in_dim3A_4 {strides = array<i32>} : memref<40x512xf32, #tpu.memory_space<vmem>>, vector<16xf32>,
      %swap3A_88 = arith.index_cast %scan3A_67 : i32 to index
      %swap3A_89 = arith.constant 112 : index
      %swap3A_90 = tpu.vector_load %arg5[%swap3A_88, %swap3A_89] {strides = array<i32>} : memref<40x512xf32, #tpu.memory_space<vmem>>, vector<16xf32>,
      tpu.vector_store %arg5[%swap3A_88, %swap3A_89], %broadcast_in_dim3A_4 {strides = array<i32>} : memref<40x512xf32, #tpu.memory_space<vmem>>, vector<16xf32>,
      %swap3A_91 = arith.index_cast %scan3A_67 : i32 to index
      %swap3A_92 = arith.constant 128 : index
      %swap3A_93 = tpu.vector_load %arg5[%swap3A_91, %swap3A_92] {strides = array<i32>} : memref<40x512xf32, #tpu.memory_space<vmem>>, vector<16xf32>,
      tpu.vector_store %arg5[%swap3A_91, %swap3A_92], %broadcast_in_dim3A_4 {strides = array<i32>} : memref<40x512xf32, #tpu.memory_space<vmem>>, vector<16xf32>,
      %swap3A_94 = arith.index_cast %scan3A_67 : i32 to index
      %swap3A_95 = arith.constant 144 : index
      %swap3A_96 = tpu.vector_load %arg5[%swap3A_94, %swap3A_95] {strides = array<i32>} : memref<40x512xf32, #tpu.memory_space<vmem>>, vector<16xf32>,
      tpu.vector_store %arg5[%swap3A_94, %swap3A_95], %broadcast_in_dim3A_4 {strides = array<i32>} : memref<40x512xf32, #tpu.memory_space<vmem>>, vector<16xf32>,
      %swap3A_97 = arith.index_cast %scan3A_67 : i32 to index
      %swap3A_98 = arith.constant 160 : index
      %swap3A_99 = tpu.vector_load %arg5[%swap3A_97, %swap3A_98] {strides = array<i32>} : memref<40x512xf32, #tpu.memory_space<vmem>>, vector<16xf32>,
      tpu.vector_store %arg5[%swap3A_97, %swap3A_98], %broadcast_in_dim3A_4 {strides = array<i32>} : memref<40x512xf32, #tpu.memory_space<vmem>>, vector<16xf32>,
      %swap3A_100 = arith.index_cast %scan3A_67 : i32 to index
      %swap3A_101 = arith.constant 176 : index
      %swap3A_102 = tpu.vector_load %arg5[%swap3A_100, %swap3A_101] {strides = array<i32>} : memref<40x512xf32, #tpu.memory_space<vmem>>, vector<16xf32>,
      tpu.vector_store %arg5[%swap3A_100, %swap3A_101], %broadcast_in_dim3A_4 {strides = array<i32>} : memref<40x512xf32, #tpu.memory_space<vmem>>, vector<16xf32>,
      %swap3A_103 = arith.index_cast %scan3A_67 : i32 to index
      %swap3A_104 = arith.constant 192 : index
      %swap3A_105 = tpu.vector_load %arg5[%swap3A_103, %swap3A_104] {strides = array<i32>} : memref<40x512xf32, #tpu.memory_space<vmem>>, vector<16xf32>,
      tpu.vector_store %arg5[%swap3A_103, %swap3A_104], %broadcast_in_dim3A_4 {strides = array<i32>} : memref<40x512xf32, #tpu.memory_space<vmem>>, vector<16xf32>,
      %swap3A_106 = arith.index_cast %scan3A_67 : i32 to index
      %swap3A_107 = arith.constant 208 : index
      %swap3A_108 = tpu.vector_load %arg5[%swap3A_106, %swap3A_107] {strides = array<i32>} : memref<40x512xf32, #tpu.memory_space<vmem>>, vector<16xf32>,
      tpu.vector_store %arg5[%swap3A_106, %swap3A_107], %broadcast_in_dim3A_4 {strides = array<i32>} : memref<40x512xf32, #tpu.memory_space<vmem>>, vector<16xf32>,
      %swap3A_109 = arith.index_cast %scan3A_67 : i32 to index
      %swap3A_110 = arith.constant 224 : index
      %swap3A_111 = tpu.vector_load %arg5[%swap3A_109, %swap3A_110] {strides = array<i32>} : memref<40x512xf32, #tpu.memory_space<vmem>>, vector<16xf32>,
      tpu.vector_store %arg5[%swap3A_109, %swap3A_110], %broadcast_in_dim3A_4 {strides = array<i32>} : memref<40x512xf32, #tpu.memory_space<vmem>>, vector<16xf32>,
      %swap3A_112 = arith.index_cast %scan3A_67 : i32 to index
      %swap3A_113 = arith.constant 240 : index
      %swap3A_114 = tpu.vector_load %arg5[%swap3A_112, %swap3A_113] {strides = array<i32>} : memref<40x512xf32, #tpu.memory_space<vmem>>, vector<16xf32>,
      tpu.vector_store %arg5[%swap3A_112, %swap3A_113], %broadcast_in_dim3A_4 {strides = array<i32>} : memref<40x512xf32, #tpu.memory_space<vmem>>, vector<16xf32>,
      %swap3A_115 = arith.index_cast %scan3A_67 : i32 to index
      %swap3A_116 = arith.constant 256 : index
      %swap3A_117 = tpu.vector_load %arg5[%swap3A_115, %swap3A_116] {strides = array<i32>} : memref<40x512xf32, #tpu.memory_space<vmem>>, vector<16xf32>,
      tpu.vector_store %arg5[%swap3A_115, %swap3A_116], %broadcast_in_dim3A_4 {strides = array<i32>} : memref<40x512xf32, #tpu.memory_space<vmem>>, vector<16xf32>,
      %swap3A_118 = arith.index_cast %scan3A_67 : i32 to index
      %swap3A_119 = arith.constant 272 : index
      %swap3A_120 = tpu.vector_load %arg5[%swap3A_118, %swap3A_119] {strides = array<i32>} : memref<40x512xf32, #tpu.memory_space<vmem>>, vector<16xf32>,
      tpu.vector_store %arg5[%swap3A_118, %swap3A_119], %broadcast_in_dim3A_4 {strides = array<i32>} : memref<40x512xf32, #tpu.memory_space<vmem>>, vector<16xf32>,
      %swap3A_121 = arith.index_cast %scan3A_67 : i32 to index
      %swap3A_122 = arith.constant 288 : index
      %swap3A_123 = tpu.vector_load %arg5[%swap3A_121, %swap3A_122] {strides = array<i32>} : memref<40x512xf32, #tpu.memory_space<vmem>>, vector<16xf32>,
      tpu.vector_store %arg5[%swap3A_121, %swap3A_122], %broadcast_in_dim3A_4 {strides = array<i32>} : memref<40x512xf32, #tpu.memory_space<vmem>>, vector<16xf32>,
      %swap3A_124 = arith.index_cast %scan3A_67 : i32 to index
      %swap3A_125 = arith.constant 304 : index
      %swap3A_126 = tpu.vector_load %arg5[%swap3A_124, %swap3A_125] {strides = array<i32>} : memref<40x512xf32, #tpu.memory_space<vmem>>, vector<16xf32>,
      tpu.vector_store %arg5[%swap3A_124, %swap3A_125], %broadcast_in_dim3A_4 {strides = array<i32>} : memref<40x512xf32, #tpu.memory_space<vmem>>, vector<16xf32>,
      %swap3A_127 = arith.index_cast %scan3A_67 : i32 to index
      %swap3A_128 = arith.constant 320 : index
      %swap3A_129 = tpu.vector_load %arg5[%swap3A_127, %swap3A_128] {strides = array<i32>} : memref<40x512xf32, #tpu.memory_space<vmem>>, vector<16xf32>,
      tpu.vector_store %arg5[%swap3A_127, %swap3A_128], %broadcast_in_dim3A_4 {strides = array<i32>} : memref<40x512xf32, #tpu.memory_space<vmem>>, vector<16xf32>,
      %swap3A_130 = arith.index_cast %scan3A_67 : i32 to index
      %swap3A_131 = arith.constant 336 : index
      %swap3A_132 = tpu.vector_load %arg5[%swap3A_130, %swap3A_131] {strides = array<i32>} : memref<40x512xf32, #tpu.memory_space<vmem>>, vector<16xf32>,
      tpu.vector_store %arg5[%swap3A_130, %swap3A_131], %broadcast_in_dim3A_4 {strides = array<i32>} : memref<40x512xf32, #tpu.memory_space<vmem>>, vector<16xf32>,
      %swap3A_133 = arith.index_cast %scan3A_67 : i32 to index
      %swap3A_134 = arith.constant 352 : index
      %swap3A_135 = tpu.vector_load %arg5[%swap3A_133, %swap3A_134] {strides = array<i32>} : memref<40x512xf32, #tpu.memory_space<vmem>>, vector<16xf32>,
      tpu.vector_store %arg5[%swap3A_133, %swap3A_134], %broadcast_in_dim3A_4 {strides = array<i32>} : memref<40x512xf32, #tpu.memory_space<vmem>>, vector<16xf32>,
      %swap3A_136 = arith.index_cast %scan3A_67 : i32 to index
      %swap3A_137 = arith.constant 368 : index
      %swap3A_138 = tpu.vector_load %arg5[%swap3A_136, %swap3A_137] {strides = array<i32>} : memref<40x512xf32, #tpu.memory_space<vmem>>, vector<16xf32>,
      tpu.vector_store %arg5[%swap3A_136, %swap3A_137], %broadcast_in_dim3A_4 {strides = array<i32>} : memref<40x512xf32, #tpu.memory_space<vmem>>, vector<16xf32>,
      %swap3A_139 = arith.index_cast %scan3A_67 : i32 to index
      %swap3A_140 = arith.constant 384 : index
      %swap3A_141 = tpu.vector_load %arg5[%swap3A_139, %swap3A_140] {strides = array<i32>} : memref<40x512xf32, #tpu.memory_space<vmem>>, vector<16xf32>,
      tpu.vector_store %arg5[%swap3A_139, %swap3A_140], %broadcast_in_dim3A_4 {strides = array<i32>} : memref<40x512xf32, #tpu.memory_space<vmem>>, vector<16xf32>,
      %swap3A_142 = arith.index_cast %scan3A_67 : i32 to index
      %swap3A_143 = arith.constant 400 : index
      %swap3A_144 = tpu.vector_load %arg5[%swap3A_142, %swap3A_143] {strides = array<i32>} : memref<40x512xf32, #tpu.memory_space<vmem>>, vector<16xf32>,
      tpu.vector_store %arg5[%swap3A_142, %swap3A_143], %broadcast_in_dim3A_4 {strides = array<i32>} : memref<40x512xf32, #tpu.memory_space<vmem>>, vector<16xf32>,
      %swap3A_145 = arith.index_cast %scan3A_67 : i32 to index
      %swap3A_146 = arith.constant 416 : index
      %swap3A_147 = tpu.vector_load %arg5[%swap3A_145, %swap3A_146] {strides = array<i32>} : memref<40x512xf32, #tpu.memory_space<vmem>>, vector<16xf32>,
      tpu.vector_store %arg5[%swap3A_145, %swap3A_146], %broadcast_in_dim3A_4 {strides = array<i32>} : memref<40x512xf32, #tpu.memory_space<vmem>>, vector<16xf32>,
      %swap3A_148 = arith.index_cast %scan3A_67 : i32 to index
      %swap3A_149 = arith.constant 432 : index
      %swap3A_150 = tpu.vector_load %arg5[%swap3A_148, %swap3A_149] {strides = array<i32>} : memref<40x512xf32, #tpu.memory_space<vmem>>, vector<16xf32>,
      tpu.vector_store %arg5[%swap3A_148, %swap3A_149], %broadcast_in_dim3A_4 {strides = array<i32>} : memref<40x512xf32, #tpu.memory_space<vmem>>, vector<16xf32>,
      %swap3A_151 = arith.index_cast %scan3A_67 : i32 to index
      %swap3A_152 = arith.constant 448 : index
      %swap3A_153 = tpu.vector_load %arg5[%swap3A_151, %swap3A_152] {strides = array<i32>} : memref<40x512xf32, #tpu.memory_space<vmem>>, vector<16xf32>,
      tpu.vector_store %arg5[%swap3A_151, %swap3A_152], %broadcast_in_dim3A_4 {strides = array<i32>} : memref<40x512xf32, #tpu.memory_space<vmem>>, vector<16xf32>,
      %swap3A_154 = arith.index_cast %scan3A_67 : i32 to index
      %swap3A_155 = arith.constant 464 : index
      %swap3A_156 = tpu.vector_load %arg5[%swap3A_154, %swap3A_155] {strides = array<i32>} : memref<40x512xf32, #tpu.memory_space<vmem>>, vector<16xf32>,
      tpu.vector_store %arg5[%swap3A_154, %swap3A_155], %broadcast_in_dim3A_4 {strides = array<i32>} : memref<40x512xf32, #tpu.memory_space<vmem>>, vector<16xf32>,
      %swap3A_157 = arith.index_cast %scan3A_67 : i32 to index
      %swap3A_158 = arith.constant 480 : index
      %swap3A_159 = tpu.vector_load %arg5[%swap3A_157, %swap3A_158] {strides = array<i32>} : memref<40x512xf32, #tpu.memory_space<vmem>>, vector<16xf32>,
      tpu.vector_store %arg5[%swap3A_157, %swap3A_158], %broadcast_in_dim3A_4 {strides = array<i32>} : memref<40x512xf32, #tpu.memory_space<vmem>>, vector<16xf32>,
      %swap3A_160 = arith.index_cast %scan3A_67 : i32 to index
      %swap3A_161 = arith.constant 496 : index
      %swap3A_162 = tpu.vector_load %arg5[%swap3A_160, %swap3A_161] {strides = array<i32>} : memref<40x512xf32, #tpu.memory_space<vmem>>, vector<16xf32>,
      tpu.vector_store %arg5[%swap3A_160, %swap3A_161], %broadcast_in_dim3A_4 {strides = array<i32>} : memref<40x512xf32, #tpu.memory_space<vmem>>, vector<16xf32>,
    }
    %scan3A_11 = arith.constant 40 : i32
    %dma_wait3A = tpu.memref_slice %arg2[%mul3A_2] : memref<16384xi32, #tpu.memory_space<hbm>> -> memref<512xi32, #tpu.memory_space<hbm>>
    %dma_wait3A_12 = tpu.memref_slice %arg2[%mul3A_2] : memref<16384xi32, #tpu.memory_space<hbm>> -> memref<512xi32, #tpu.memory_space<hbm>>
    tpu.wait_dma2 semaphore(%arg9 : memref<!tpu.dma_semaphore, #tpu.memory_space<semaphore_mem>>) src(%dma_wait3A_12 : memref<512xi32, #tpu.memory_space<hbm>>) dst(%arg4 : memref<512xi32, #tpu.memory_space<vmem>>)
    %scan3A_13 = arith.constant 0 : i32
    %scan3A_14 = arith.constant 0 : i32
    %scan3A_15 = arith.constant 8 : i32
    %scan3A_16 = arith.addi %scan3A_14, %scan3A_15 : i32
    %scan3A_17 = arith.constant 1 : i32
    scf.for %scan3A_67 = %scan3A_14 to %scan3A_16 step %scan3A_17  : i32 {
      %mul3A_68 = arith.constant 4 : i32
      %mul3A_69 = arith.muli %scan3A_67, %mul3A_68 : i32
      %add3A_70 = arith.constant 0 : i32
      %add3A_71 = arith.addi %mul3A_69, %add3A_70 : i32
      %mul3A_72 = arith.constant 16 : i32
      %mul3A_73 = arith.muli %add3A_71, %mul3A_72 : i32
      %add3A_74 = vector.broadcast %mul3A_73 : i32 to vector<16xi32>
      %add3A_75 = arith.addi %add3A_74, %iota3A : vector<16xi32>
      %mul3A_76 = arith.constant 16 : i32
      %mul3A_77 = arith.muli %add3A_71, %mul3A_76 : i32
      %get3A = arith.index_cast %mul3A_77 : i32 to index
      %get3A_78 = tpu.vector_load %arg4[%get3A] {strides = array<i32>} : memref<512xi32, #tpu.memory_space<vmem>>, vector<16xi32>,
      %sub3A = arith.constant 0 : i32
      %sub3A_79 = vector.broadcast %sub3A : i32 to vector<16xi32>
      %sub3A_80 = arith.subi %get3A_78, %sub3A_79 : vector<16xi32>
      %lt3A = arith.constant 40 : i32
      %lt3A_81 = vector.broadcast %lt3A : i32 to vector<16xi32>
      %lt3A_82 = arith.cmpi ult, %sub3A_80, %lt3A_81 : vector<16xi32>
      tpu.vector_store_idx %arg5[%sub3A_80, %add3A_75], %broadcast_in_dim3A_6 masked %lt3A_82 : memref<40x512xf32, #tpu.memory_space<vmem>>[vector<16xi32>, vector<16xi32>], vector<16xf32>, vector<16xi1>
      %mul3A_83 = arith.constant 4 : i32
      %mul3A_84 = arith.muli %scan3A_67, %mul3A_83 : i32
      %add3A_85 = arith.constant 1 : i32
      %add3A_86 = arith.addi %mul3A_84, %add3A_85 : i32
      %mul3A_87 = arith.constant 16 : i32
      %mul3A_88 = arith.muli %add3A_86, %mul3A_87 : i32
      %add3A_89 = vector.broadcast %mul3A_88 : i32 to vector<16xi32>
      %add3A_90 = arith.addi %add3A_89, %iota3A : vector<16xi32>
      %mul3A_91 = arith.constant 16 : i32
      %mul3A_92 = arith.muli %add3A_86, %mul3A_91 : i32
      %get3A_93 = arith.index_cast %mul3A_92 : i32 to index
      %get3A_94 = tpu.vector_load %arg4[%get3A_93] {strides = array<i32>} : memref<512xi32, #tpu.memory_space<vmem>>, vector<16xi32>,
      %sub3A_95 = arith.constant 0 : i32
      %sub3A_96 = vector.broadcast %sub3A_95 : i32 to vector<16xi32>
      %sub3A_97 = arith.subi %get3A_94, %sub3A_96 : vector<16xi32>
      %lt3A_98 = arith.constant 40 : i32
      %lt3A_99 = vector.broadcast %lt3A_98 : i32 to vector<16xi32>
      %lt3A_100 = arith.cmpi ult, %sub3A_97, %lt3A_99 : vector<16xi32>
      tpu.vector_store_idx %arg5[%sub3A_97, %add3A_90], %broadcast_in_dim3A_6 masked %lt3A_100 : memref<40x512xf32, #tpu.memory_space<vmem>>[vector<16xi32>, vector<16xi32>], vector<16xf32>, vector<16xi1>
      %mul3A_101 = arith.constant 4 : i32
      %mul3A_102 = arith.muli %scan3A_67, %mul3A_101 : i32
      %add3A_103 = arith.constant 2 : i32
      %add3A_104 = arith.addi %mul3A_102, %add3A_103 : i32
      %mul3A_105 = arith.constant 16 : i32
      %mul3A_106 = arith.muli %add3A_104, %mul3A_105 : i32
      %add3A_107 = vector.broadcast %mul3A_106 : i32 to vector<16xi32>
      %add3A_108 = arith.addi %add3A_107, %iota3A : vector<16xi32>
      %mul3A_109 = arith.constant 16 : i32
      %mul3A_110 = arith.muli %add3A_104, %mul3A_109 : i32
      %get3A_111 = arith.index_cast %mul3A_110 : i32 to index
      %get3A_112 = tpu.vector_load %arg4[%get3A_111] {strides = array<i32>} : memref<512xi32, #tpu.memory_space<vmem>>, vector<16xi32>,
      %sub3A_113 = arith.constant 0 : i32
      %sub3A_114 = vector.broadcast %sub3A_113 : i32 to vector<16xi32>
      %sub3A_115 = arith.subi %get3A_112, %sub3A_114 : vector<16xi32>
      %lt3A_116 = arith.constant 40 : i32
      %lt3A_117 = vector.broadcast %lt3A_116 : i32 to vector<16xi32>
      %lt3A_118 = arith.cmpi ult, %sub3A_115, %lt3A_117 : vector<16xi32>
      tpu.vector_store_idx %arg5[%sub3A_115, %add3A_108], %broadcast_in_dim3A_6 masked %lt3A_118 : memref<40x512xf32, #tpu.memory_space<vmem>>[vector<16xi32>, vector<16xi32>], vector<16xf32>, vector<16xi1>
      %mul3A_119 = arith.constant 4 : i32
      %mul3A_120 = arith.muli %scan3A_67, %mul3A_119 : i32
      %add3A_121 = arith.constant 3 : i32
      %add3A_122 = arith.addi %mul3A_120, %add3A_121 : i32
      %mul3A_123 = arith.constant 16 : i32
      %mul3A_124 = arith.muli %add3A_122, %mul3A_123 : i32
      %add3A_125 = vector.broadcast %mul3A_124 : i32 to vector<16xi32>
      %add3A_126 = arith.addi %add3A_125, %iota3A : vector<16xi32>
      %mul3A_127 = arith.constant 16 : i32
      %mul3A_128 = arith.muli %add3A_122, %mul3A_127 : i32
      %get3A_129 = arith.index_cast %mul3A_128 : i32 to index
      %get3A_130 = tpu.vector_load %arg4[%get3A_129] {strides = array<i32>} : memref<512xi32, #tpu.memory_space<vmem>>, vector<16xi32>,
      %sub3A_131 = arith.constant 0 : i32
      %sub3A_132 = vector.broadcast %sub3A_131 : i32 to vector<16xi32>
      %sub3A_133 = arith.subi %get3A_130, %sub3A_132 : vector<16xi32>
      %lt3A_134 = arith.constant 40 : i32
      %lt3A_135 = vector.broadcast %lt3A_134 : i32 to vector<16xi32>
      %lt3A_136 = arith.cmpi ult, %sub3A_133, %lt3A_135 : vector<16xi32>
      tpu.vector_store_idx %arg5[%sub3A_133, %add3A_126], %broadcast_in_dim3A_6 masked %lt3A_136 : memref<40x512xf32, #tpu.memory_space<vmem>>[vector<16xi32>, vector<16xi32>], vector<16xf32>, vector<16xi1>
    }
    %scan3A_18 = arith.constant 8 : i32
    %dma_start3A_19 = arith.constant 0 : i32
    %dma_start3A_20 = tpu.memref_slice %arg3[%dma_start3A_19, %mul3A_2] : memref<1000x16384xf32, #tpu.memory_space<hbm>> -> memref<40x512xf32, #tpu.memory_space<hbm>>
    %dma_start3A_21 = arith.constant 0 : i32
    %dma_start3A_22 = tpu.memref_slice %arg3[%dma_start3A_21, %mul3A_2] : memref<1000x16384xf32, #tpu.memory_space<hbm>> -> memref<40x512xf32, #tpu.memory_space<hbm>>
    tpu.enqueue_dma source(%arg5 : memref<40x512xf32, #tpu.memory_space<vmem>>) target(%dma_start3A_22 : memref<40x512xf32, #tpu.memory_space<hbm>>) target_semaphore(%arg7 : memref<!tpu.dma_semaphore, #tpu.memory_space<semaphore_mem>>)
    %scan3A_23 = arith.constant 0 : i32
    %scan3A_24 = arith.constant 0 : i32
    %scan3A_25 = arith.constant 40 : i32
    %scan3A_26 = arith.addi %scan3A_24, %scan3A_25 : i32
    %scan3A_27 = arith.constant 1 : i32
    scf.for %scan3A_67 = %scan3A_24 to %scan3A_26 step %scan3A_27  : i32 {
      %swap3A = arith.index_cast %scan3A_67 : i32 to index
      %swap3A_68 = arith.constant 0 : index
      %swap3A_69 = tpu.vector_load %arg6[%swap3A, %swap3A_68] {strides = array<i32>} : memref<40x512xf32, #tpu.memory_space<vmem>>, vector<16xf32>,
      tpu.vector_store %arg6[%swap3A, %swap3A_68], %broadcast_in_dim3A_4 {strides = array<i32>} : memref<40x512xf32, #tpu.memory_space<vmem>>, vector<16xf32>,
      %swap3A_70 = arith.index_cast %scan3A_67 : i32 to index
      %swap3A_71 = arith.constant 16 : index
      %swap3A_72 = tpu.vector_load %arg6[%swap3A_70, %swap3A_71] {strides = array<i32>} : memref<40x512xf32, #tpu.memory_space<vmem>>, vector<16xf32>,
      tpu.vector_store %arg6[%swap3A_70, %swap3A_71], %broadcast_in_dim3A_4 {strides = array<i32>} : memref<40x512xf32, #tpu.memory_space<vmem>>, vector<16xf32>,
      %swap3A_73 = arith.index_cast %scan3A_67 : i32 to index
      %swap3A_74 = arith.constant 32 : index
      %swap3A_75 = tpu.vector_load %arg6[%swap3A_73, %swap3A_74] {strides = array<i32>} : memref<40x512xf32, #tpu.memory_space<vmem>>, vector<16xf32>,
      tpu.vector_store %arg6[%swap3A_73, %swap3A_74], %broadcast_in_dim3A_4 {strides = array<i32>} : memref<40x512xf32, #tpu.memory_space<vmem>>, vector<16xf32>,
      %swap3A_76 = arith.index_cast %scan3A_67 : i32 to index
      %swap3A_77 = arith.constant 48 : index
      %swap3A_78 = tpu.vector_load %arg6[%swap3A_76, %swap3A_77] {strides = array<i32>} : memref<40x512xf32, #tpu.memory_space<vmem>>, vector<16xf32>,
      tpu.vector_store %arg6[%swap3A_76, %swap3A_77], %broadcast_in_dim3A_4 {strides = array<i32>} : memref<40x512xf32, #tpu.memory_space<vmem>>, vector<16xf32>,
      %swap3A_79 = arith.index_cast %scan3A_67 : i32 to index
      %swap3A_80 = arith.constant 64 : index
      %swap3A_81 = tpu.vector_load %arg6[%swap3A_79, %swap3A_80] {strides = array<i32>} : memref<40x512xf32, #tpu.memory_space<vmem>>, vector<16xf32>,
      tpu.vector_store %arg6[%swap3A_79, %swap3A_80], %broadcast_in_dim3A_4 {strides = array<i32>} : memref<40x512xf32, #tpu.memory_space<vmem>>, vector<16xf32>,
      %swap3A_82 = arith.index_cast %scan3A_67 : i32 to index
      %swap3A_83 = arith.constant 80 : index
      %swap3A_84 = tpu.vector_load %arg6[%swap3A_82, %swap3A_83] {strides = array<i32>} : memref<40x512xf32, #tpu.memory_space<vmem>>, vector<16xf32>,
      tpu.vector_store %arg6[%swap3A_82, %swap3A_83], %broadcast_in_dim3A_4 {strides = array<i32>} : memref<40x512xf32, #tpu.memory_space<vmem>>, vector<16xf32>,
      %swap3A_85 = arith.index_cast %scan3A_67 : i32 to index
      %swap3A_86 = arith.constant 96 : index
      %swap3A_87 = tpu.vector_load %arg6[%swap3A_85, %swap3A_86] {strides = array<i32>} : memref<40x512xf32, #tpu.memory_space<vmem>>, vector<16xf32>,
      tpu.vector_store %arg6[%swap3A_85, %swap3A_86], %broadcast_in_dim3A_4 {strides = array<i32>} : memref<40x512xf32, #tpu.memory_space<vmem>>, vector<16xf32>,
      %swap3A_88 = arith.index_cast %scan3A_67 : i32 to index
      %swap3A_89 = arith.constant 112 : index
      %swap3A_90 = tpu.vector_load %arg6[%swap3A_88, %swap3A_89] {strides = array<i32>} : memref<40x512xf32, #tpu.memory_space<vmem>>, vector<16xf32>,
      tpu.vector_store %arg6[%swap3A_88, %swap3A_89], %broadcast_in_dim3A_4 {strides = array<i32>} : memref<40x512xf32, #tpu.memory_space<vmem>>, vector<16xf32>,
      %swap3A_91 = arith.index_cast %scan3A_67 : i32 to index
      %swap3A_92 = arith.constant 128 : index
      %swap3A_93 = tpu.vector_load %arg6[%swap3A_91, %swap3A_92] {strides = array<i32>} : memref<40x512xf32, #tpu.memory_space<vmem>>, vector<16xf32>,
      tpu.vector_store %arg6[%swap3A_91, %swap3A_92], %broadcast_in_dim3A_4 {strides = array<i32>} : memref<40x512xf32, #tpu.memory_space<vmem>>, vector<16xf32>,
      %swap3A_94 = arith.index_cast %scan3A_67 : i32 to index
      %swap3A_95 = arith.constant 144 : index
      %swap3A_96 = tpu.vector_load %arg6[%swap3A_94, %swap3A_95] {strides = array<i32>} : memref<40x512xf32, #tpu.memory_space<vmem>>, vector<16xf32>,
      tpu.vector_store %arg6[%swap3A_94, %swap3A_95], %broadcast_in_dim3A_4 {strides = array<i32>} : memref<40x512xf32, #tpu.memory_space<vmem>>, vector<16xf32>,
      %swap3A_97 = arith.index_cast %scan3A_67 : i32 to index
      %swap3A_98 = arith.constant 160 : index
      %swap3A_99 = tpu.vector_load %arg6[%swap3A_97, %swap3A_98] {strides = array<i32>} : memref<40x512xf32, #tpu.memory_space<vmem>>, vector<16xf32>,
      tpu.vector_store %arg6[%swap3A_97, %swap3A_98], %broadcast_in_dim3A_4 {strides = array<i32>} : memref<40x512xf32, #tpu.memory_space<vmem>>, vector<16xf32>,
      %swap3A_100 = arith.index_cast %scan3A_67 : i32 to index
      %swap3A_101 = arith.constant 176 : index
      %swap3A_102 = tpu.vector_load %arg6[%swap3A_100, %swap3A_101] {strides = array<i32>} : memref<40x512xf32, #tpu.memory_space<vmem>>, vector<16xf32>,
      tpu.vector_store %arg6[%swap3A_100, %swap3A_101], %broadcast_in_dim3A_4 {strides = array<i32>} : memref<40x512xf32, #tpu.memory_space<vmem>>, vector<16xf32>,
      %swap3A_103 = arith.index_cast %scan3A_67 : i32 to index
      %swap3A_104 = arith.constant 192 : index
      %swap3A_105 = tpu.vector_load %arg6[%swap3A_103, %swap3A_104] {strides = array<i32>} : memref<40x512xf32, #tpu.memory_space<vmem>>, vector<16xf32>,
      tpu.vector_store %arg6[%swap3A_103, %swap3A_104], %broadcast_in_dim3A_4 {strides = array<i32>} : memref<40x512xf32, #tpu.memory_space<vmem>>, vector<16xf32>,
      %swap3A_106 = arith.index_cast %scan3A_67 : i32 to index
      %swap3A_107 = arith.constant 208 : index
      %swap3A_108 = tpu.vector_load %arg6[%swap3A_106, %swap3A_107] {strides = array<i32>} : memref<40x512xf32, #tpu.memory_space<vmem>>, vector<16xf32>,
      tpu.vector_store %arg6[%swap3A_106, %swap3A_107], %broadcast_in_dim3A_4 {strides = array<i32>} : memref<40x512xf32, #tpu.memory_space<vmem>>, vector<16xf32>,
      %swap3A_109 = arith.index_cast %scan3A_67 : i32 to index
      %swap3A_110 = arith.constant 224 : index
      %swap3A_111 = tpu.vector_load %arg6[%swap3A_109, %swap3A_110] {strides = array<i32>} : memref<40x512xf32, #tpu.memory_space<vmem>>, vector<16xf32>,
      tpu.vector_store %arg6[%swap3A_109, %swap3A_110], %broadcast_in_dim3A_4 {strides = array<i32>} : memref<40x512xf32, #tpu.memory_space<vmem>>, vector<16xf32>,
      %swap3A_112 = arith.index_cast %scan3A_67 : i32 to index
      %swap3A_113 = arith.constant 240 : index
      %swap3A_114 = tpu.vector_load %arg6[%swap3A_112, %swap3A_113] {strides = array<i32>} : memref<40x512xf32, #tpu.memory_space<vmem>>, vector<16xf32>,
      tpu.vector_store %arg6[%swap3A_112, %swap3A_113], %broadcast_in_dim3A_4 {strides = array<i32>} : memref<40x512xf32, #tpu.memory_space<vmem>>, vector<16xf32>,
      %swap3A_115 = arith.index_cast %scan3A_67 : i32 to index
      %swap3A_116 = arith.constant 256 : index
      %swap3A_117 = tpu.vector_load %arg6[%swap3A_115, %swap3A_116] {strides = array<i32>} : memref<40x512xf32, #tpu.memory_space<vmem>>, vector<16xf32>,
      tpu.vector_store %arg6[%swap3A_115, %swap3A_116], %broadcast_in_dim3A_4 {strides = array<i32>} : memref<40x512xf32, #tpu.memory_space<vmem>>, vector<16xf32>,
      %swap3A_118 = arith.index_cast %scan3A_67 : i32 to index
      %swap3A_119 = arith.constant 272 : index
      %swap3A_120 = tpu.vector_load %arg6[%swap3A_118, %swap3A_119] {strides = array<i32>} : memref<40x512xf32, #tpu.memory_space<vmem>>, vector<16xf32>,
      tpu.vector_store %arg6[%swap3A_118, %swap3A_119], %broadcast_in_dim3A_4 {strides = array<i32>} : memref<40x512xf32, #tpu.memory_space<vmem>>, vector<16xf32>,
      %swap3A_121 = arith.index_cast %scan3A_67 : i32 to index
      %swap3A_122 = arith.constant 288 : index
      %swap3A_123 = tpu.vector_load %arg6[%swap3A_121, %swap3A_122] {strides = array<i32>} : memref<40x512xf32, #tpu.memory_space<vmem>>, vector<16xf32>,
      tpu.vector_store %arg6[%swap3A_121, %swap3A_122], %broadcast_in_dim3A_4 {strides = array<i32>} : memref<40x512xf32, #tpu.memory_space<vmem>>, vector<16xf32>,
      %swap3A_124 = arith.index_cast %scan3A_67 : i32 to index
      %swap3A_125 = arith.constant 304 : index
      %swap3A_126 = tpu.vector_load %arg6[%swap3A_124, %swap3A_125] {strides = array<i32>} : memref<40x512xf32, #tpu.memory_space<vmem>>, vector<16xf32>,
      tpu.vector_store %arg6[%swap3A_124, %swap3A_125], %broadcast_in_dim3A_4 {strides = array<i32>} : memref<40x512xf32, #tpu.memory_space<vmem>>, vector<16xf32>,
      %swap3A_127 = arith.index_cast %scan3A_67 : i32 to index
      %swap3A_128 = arith.constant 320 : index
      %swap3A_129 = tpu.vector_load %arg6[%swap3A_127, %swap3A_128] {strides = array<i32>} : memref<40x512xf32, #tpu.memory_space<vmem>>, vector<16xf32>,
      tpu.vector_store %arg6[%swap3A_127, %swap3A_128], %broadcast_in_dim3A_4 {strides = array<i32>} : memref<40x512xf32, #tpu.memory_space<vmem>>, vector<16xf32>,
      %swap3A_130 = arith.index_cast %scan3A_67 : i32 to index
      %swap3A_131 = arith.constant 336 : index
      %swap3A_132 = tpu.vector_load %arg6[%swap3A_130, %swap3A_131] {strides = array<i32>} : memref<40x512xf32, #tpu.memory_space<vmem>>, vector<16xf32>,
      tpu.vector_store %arg6[%swap3A_130, %swap3A_131], %broadcast_in_dim3A_4 {strides = array<i32>} : memref<40x512xf32, #tpu.memory_space<vmem>>, vector<16xf32>,
      %swap3A_133 = arith.index_cast %scan3A_67 : i32 to index
      %swap3A_134 = arith.constant 352 : index
      %swap3A_135 = tpu.vector_load %arg6[%swap3A_133, %swap3A_134] {strides = array<i32>} : memref<40x512xf32, #tpu.memory_space<vmem>>, vector<16xf32>,
      tpu.vector_store %arg6[%swap3A_133, %swap3A_134], %broadcast_in_dim3A_4 {strides = array<i32>} : memref<40x512xf32, #tpu.memory_space<vmem>>, vector<16xf32>,
      %swap3A_136 = arith.index_cast %scan3A_67 : i32 to index
      %swap3A_137 = arith.constant 368 : index
      %swap3A_138 = tpu.vector_load %arg6[%swap3A_136, %swap3A_137] {strides = array<i32>} : memref<40x512xf32, #tpu.memory_space<vmem>>, vector<16xf32>,
      tpu.vector_store %arg6[%swap3A_136, %swap3A_137], %broadcast_in_dim3A_4 {strides = array<i32>} : memref<40x512xf32, #tpu.memory_space<vmem>>, vector<16xf32>,
      %swap3A_139 = arith.index_cast %scan3A_67 : i32 to index
      %swap3A_140 = arith.constant 384 : index
      %swap3A_141 = tpu.vector_load %arg6[%swap3A_139, %swap3A_140] {strides = array<i32>} : memref<40x512xf32, #tpu.memory_space<vmem>>, vector<16xf32>,
      tpu.vector_store %arg6[%swap3A_139, %swap3A_140], %broadcast_in_dim3A_4 {strides = array<i32>} : memref<40x512xf32, #tpu.memory_space<vmem>>, vector<16xf32>,
      %swap3A_142 = arith.index_cast %scan3A_67 : i32 to index
      %swap3A_143 = arith.constant 400 : index
      %swap3A_144 = tpu.vector_load %arg6[%swap3A_142, %swap3A_143] {strides = array<i32>} : memref<40x512xf32, #tpu.memory_space<vmem>>, vector<16xf32>,
      tpu.vector_store %arg6[%swap3A_142, %swap3A_143], %broadcast_in_dim3A_4 {strides = array<i32>} : memref<40x512xf32, #tpu.memory_space<vmem>>, vector<16xf32>,
      %swap3A_145 = arith.index_cast %scan3A_67 : i32 to index
      %swap3A_146 = arith.constant 416 : index
      %swap3A_147 = tpu.vector_load %arg6[%swap3A_145, %swap3A_146] {strides = array<i32>} : memref<40x512xf32, #tpu.memory_space<vmem>>, vector<16xf32>,
      tpu.vector_store %arg6[%swap3A_145, %swap3A_146], %broadcast_in_dim3A_4 {strides = array<i32>} : memref<40x512xf32, #tpu.memory_space<vmem>>, vector<16xf32>,
      %swap3A_148 = arith.index_cast %scan3A_67 : i32 to index
      %swap3A_149 = arith.constant 432 : index
      %swap3A_150 = tpu.vector_load %arg6[%swap3A_148, %swap3A_149] {strides = array<i32>} : memref<40x512xf32, #tpu.memory_space<vmem>>, vector<16xf32>,
      tpu.vector_store %arg6[%swap3A_148, %swap3A_149], %broadcast_in_dim3A_4 {strides = array<i32>} : memref<40x512xf32, #tpu.memory_space<vmem>>, vector<16xf32>,
      %swap3A_151 = arith.index_cast %scan3A_67 : i32 to index
      %swap3A_152 = arith.constant 448 : index
      %swap3A_153 = tpu.vector_load %arg6[%swap3A_151, %swap3A_152] {strides = array<i32>} : memref<40x512xf32, #tpu.memory_space<vmem>>, vector<16xf32>,
      tpu.vector_store %arg6[%swap3A_151, %swap3A_152], %broadcast_in_dim3A_4 {strides = array<i32>} : memref<40x512xf32, #tpu.memory_space<vmem>>, vector<16xf32>,
      %swap3A_154 = arith.index_cast %scan3A_67 : i32 to index
      %swap3A_155 = arith.constant 464 : index
      %swap3A_156 = tpu.vector_load %arg6[%swap3A_154, %swap3A_155] {strides = array<i32>} : memref<40x512xf32, #tpu.memory_space<vmem>>, vector<16xf32>,
      tpu.vector_store %arg6[%swap3A_154, %swap3A_155], %broadcast_in_dim3A_4 {strides = array<i32>} : memref<40x512xf32, #tpu.memory_space<vmem>>, vector<16xf32>,
      %swap3A_157 = arith.index_cast %scan3A_67 : i32 to index
      %swap3A_158 = arith.constant 480 : index
      %swap3A_159 = tpu.vector_load %arg6[%swap3A_157, %swap3A_158] {strides = array<i32>} : memref<40x512xf32, #tpu.memory_space<vmem>>, vector<16xf32>,
      tpu.vector_store %arg6[%swap3A_157, %swap3A_158], %broadcast_in_dim3A_4 {strides = array<i32>} : memref<40x512xf32, #tpu.memory_space<vmem>>, vector<16xf32>,
      %swap3A_160 = arith.index_cast %scan3A_67 : i32 to index
      %swap3A_161 = arith.constant 496 : index
      %swap3A_162 = tpu.vector_load %arg6[%swap3A_160, %swap3A_161] {strides = array<i32>} : memref<40x512xf32, #tpu.memory_space<vmem>>, vector<16xf32>,
      tpu.vector_store %arg6[%swap3A_160, %swap3A_161], %broadcast_in_dim3A_4 {strides = array<i32>} : memref<40x512xf32, #tpu.memory_space<vmem>>, vector<16xf32>,
    }
    %scan3A_28 = arith.constant 40 : i32
    %scan3A_29 = arith.constant 0 : i32
    %scan3A_30 = arith.constant 0 : i32
    %scan3A_31 = arith.constant 8 : i32
    %scan3A_32 = arith.addi %scan3A_30, %scan3A_31 : i32
    %scan3A_33 = arith.constant 1 : i32
    scf.for %scan3A_67 = %scan3A_30 to %scan3A_32 step %scan3A_33  : i32 {
      %mul3A_68 = arith.constant 4 : i32
      %mul3A_69 = arith.muli %scan3A_67, %mul3A_68 : i32
      %add3A_70 = arith.constant 0 : i32
      %add3A_71 = arith.addi %mul3A_69, %add3A_70 : i32
      %mul3A_72 = arith.constant 16 : i32
      %mul3A_73 = arith.muli %add3A_71, %mul3A_72 : i32
      %add3A_74 = vector.broadcast %mul3A_73 : i32 to vector<16xi32>
      %add3A_75 = arith.addi %add3A_74, %iota3A : vector<16xi32>
      %mul3A_76 = arith.constant 16 : i32
      %mul3A_77 = arith.muli %add3A_71, %mul3A_76 : i32
      %get3A = arith.index_cast %mul3A_77 : i32 to index
      %get3A_78 = tpu.vector_load %arg4[%get3A] {strides = array<i32>} : memref<512xi32, #tpu.memory_space<vmem>>, vector<16xi32>,
      %sub3A = arith.constant 40 : i32
      %sub3A_79 = vector.broadcast %sub3A : i32 to vector<16xi32>
      %sub3A_80 = arith.subi %get3A_78, %sub3A_79 : vector<16xi32>
      %lt3A = arith.constant 40 : i32
      %lt3A_81 = vector.broadcast %lt3A : i32 to vector<16xi32>
      %lt3A_82 = arith.cmpi ult, %sub3A_80, %lt3A_81 : vector<16xi32>
      tpu.vector_store_idx %arg6[%sub3A_80, %add3A_75], %broadcast_in_dim3A_6 masked %lt3A_82 : memref<40x512xf32, #tpu.memory_space<vmem>>[vector<16xi32>, vector<16xi32>], vector<16xf32>, vector<16xi1>
      %mul3A_83 = arith.constant 4 : i32
      %mul3A_84 = arith.muli %scan3A_67, %mul3A_83 : i32
      %add3A_85 = arith.constant 1 : i32
      %add3A_86 = arith.addi %mul3A_84, %add3A_85 : i32
      %mul3A_87 = arith.constant 16 : i32
      %mul3A_88 = arith.muli %add3A_86, %mul3A_87 : i32
      %add3A_89 = vector.broadcast %mul3A_88 : i32 to vector<16xi32>
      %add3A_90 = arith.addi %add3A_89, %iota3A : vector<16xi32>
      %mul3A_91 = arith.constant 16 : i32
      %mul3A_92 = arith.muli %add3A_86, %mul3A_91 : i32
      %get3A_93 = arith.index_cast %mul3A_92 : i32 to index
      %get3A_94 = tpu.vector_load %arg4[%get3A_93] {strides = array<i32>} : memref<512xi32, #tpu.memory_space<vmem>>, vector<16xi32>,
      %sub3A_95 = arith.constant 40 : i32
      %sub3A_96 = vector.broadcast %sub3A_95 : i32 to vector<16xi32>
      %sub3A_97 = arith.subi %get3A_94, %sub3A_96 : vector<16xi32>
      %lt3A_98 = arith.constant 40 : i32
      %lt3A_99 = vector.broadcast %lt3A_98 : i32 to vector<16xi32>
      %lt3A_100 = arith.cmpi ult, %sub3A_97, %lt3A_99 : vector<16xi32>
      tpu.vector_store_idx %arg6[%sub3A_97, %add3A_90], %broadcast_in_dim3A_6 masked %lt3A_100 : memref<40x512xf32, #tpu.memory_space<vmem>>[vector<16xi32>, vector<16xi32>], vector<16xf32>, vector<16xi1>
      %mul3A_101 = arith.constant 4 : i32
      %mul3A_102 = arith.muli %scan3A_67, %mul3A_101 : i32
      %add3A_103 = arith.constant 2 : i32
      %add3A_104 = arith.addi %mul3A_102, %add3A_103 : i32
      %mul3A_105 = arith.constant 16 : i32
      %mul3A_106 = arith.muli %add3A_104, %mul3A_105 : i32
      %add3A_107 = vector.broadcast %mul3A_106 : i32 to vector<16xi32>
      %add3A_108 = arith.addi %add3A_107, %iota3A : vector<16xi32>
      %mul3A_109 = arith.constant 16 : i32
      %mul3A_110 = arith.muli %add3A_104, %mul3A_109 : i32
      %get3A_111 = arith.index_cast %mul3A_110 : i32 to index
      %get3A_112 = tpu.vector_load %arg4[%get3A_111] {strides = array<i32>} : memref<512xi32, #tpu.memory_space<vmem>>, vector<16xi32>,
      %sub3A_113 = arith.constant 40 : i32
      %sub3A_114 = vector.broadcast %sub3A_113 : i32 to vector<16xi32>
      %sub3A_115 = arith.subi %get3A_112, %sub3A_114 : vector<16xi32>
      %lt3A_116 = arith.constant 40 : i32
      %lt3A_117 = vector.broadcast %lt3A_116 : i32 to vector<16xi32>
      %lt3A_118 = arith.cmpi ult, %sub3A_115, %lt3A_117 : vector<16xi32>
      tpu.vector_store_idx %arg6[%sub3A_115, %add3A_108], %broadcast_in_dim3A_6 masked %lt3A_118 : memref<40x512xf32, #tpu.memory_space<vmem>>[vector<16xi32>, vector<16xi32>], vector<16xf32>, vector<16xi1>
      %mul3A_119 = arith.constant 4 : i32
      %mul3A_120 = arith.muli %scan3A_67, %mul3A_119 : i32
      %add3A_121 = arith.constant 3 : i32
      %add3A_122 = arith.addi %mul3A_120, %add3A_121 : i32
      %mul3A_123 = arith.constant 16 : i32
      %mul3A_124 = arith.muli %add3A_122, %mul3A_123 : i32
      %add3A_125 = vector.broadcast %mul3A_124 : i32 to vector<16xi32>
      %add3A_126 = arith.addi %add3A_125, %iota3A : vector<16xi32>
      %mul3A_127 = arith.constant 16 : i32
      %mul3A_128 = arith.muli %add3A_122, %mul3A_127 : i32
      %get3A_129 = arith.index_cast %mul3A_128 : i32 to index
      %get3A_130 = tpu.vector_load %arg4[%get3A_129] {strides = array<i32>} : memref<512xi32, #tpu.memory_space<vmem>>, vector<16xi32>,
      %sub3A_131 = arith.constant 40 : i32
      %sub3A_132 = vector.broadcast %sub3A_131 : i32 to vector<16xi32>
      %sub3A_133 = arith.subi %get3A_130, %sub3A_132 : vector<16xi32>
      %lt3A_134 = arith.constant 40 : i32
      %lt3A_135 = vector.broadcast %lt3A_134 : i32 to vector<16xi32>
      %lt3A_136 = arith.cmpi ult, %sub3A_133, %lt3A_135 : vector<16xi32>
      tpu.vector_store_idx %arg6[%sub3A_133, %add3A_126], %broadcast_in_dim3A_6 masked %lt3A_136 : memref<40x512xf32, #tpu.memory_space<vmem>>[vector<16xi32>, vector<16xi32>], vector<16xf32>, vector<16xi1>
    }
    %scan3A_34 = arith.constant 8 : i32
    %dma_start3A_35 = arith.constant 40 : i32
    %dma_start3A_36 = tpu.memref_slice %arg3[%dma_start3A_35, %mul3A_2] : memref<1000x16384xf32, #tpu.memory_space<hbm>> -> memref<40x512xf32, #tpu.memory_space<hbm>>
    %dma_start3A_37 = arith.constant 40 : i32
    %dma_start3A_38 = tpu.memref_slice %arg3[%dma_start3A_37, %mul3A_2] : memref<1000x16384xf32, #tpu.memory_space<hbm>> -> memref<40x512xf32, #tpu.memory_space<hbm>>
    tpu.enqueue_dma source(%arg6 : memref<40x512xf32, #tpu.memory_space<vmem>>) target(%dma_start3A_38 : memref<40x512xf32, #tpu.memory_space<hbm>>) target_semaphore(%arg8 : memref<!tpu.dma_semaphore, #tpu.memory_space<semaphore_mem>>)
    %scan3A_39 = arith.constant 0 : i32
    %scan3A_40 = arith.constant 1 : i32
    %scan3A_41 = arith.constant 11 : i32
    %scan3A_42 = arith.addi %scan3A_40, %scan3A_41 : i32
    %scan3A_43 = arith.constant 1 : i32
    scf.for %scan3A_67 = %scan3A_40 to %scan3A_42 step %scan3A_43  : i32 {
      %mul3A_68 = arith.constant 2 : i32
      %mul3A_69 = arith.muli %mul3A_68, %scan3A_67 : i32
      %mul3A_70 = arith.constant 40 : i32
      %mul3A_71 = arith.muli %mul3A_69, %mul3A_70 : i32
      %dma_wait3A_72 = arith.constant 0 : i32
      %dma_wait3A_73 = tpu.memref_slice %arg3[%dma_wait3A_72, %mul3A_2] : memref<1000x16384xf32, #tpu.memory_space<hbm>> -> memref<40x512xf32, #tpu.memory_space<hbm>>
      %dma_wait3A_74 = arith.constant 0 : i32
      %dma_wait3A_75 = tpu.memref_slice %arg3[%dma_wait3A_74, %mul3A_2] : memref<1000x16384xf32, #tpu.memory_space<hbm>> -> memref<40x512xf32, #tpu.memory_space<hbm>>
      tpu.wait_dma2 semaphore(%arg7 : memref<!tpu.dma_semaphore, #tpu.memory_space<semaphore_mem>>) src(%arg5 : memref<40x512xf32, #tpu.memory_space<vmem>>) dst(%dma_wait3A_75 : memref<40x512xf32, #tpu.memory_space<hbm>>)
      %sub3A = arith.constant 80 : i32
      %sub3A_76 = arith.subi %mul3A_71, %sub3A : i32
      %scan3A_77 = arith.constant 0 : i32
      %scan3A_78 = arith.constant 0 : i32
      %scan3A_79 = arith.constant 8 : i32
      %scan3A_80 = arith.addi %scan3A_78, %scan3A_79 : i32
      %scan3A_81 = arith.constant 1 : i32
      scf.for %scan3A_103 = %scan3A_78 to %scan3A_80 step %scan3A_81  : i32 {
        %mul3A_104 = arith.constant 4 : i32
        %mul3A_105 = arith.muli %scan3A_103, %mul3A_104 : i32
        %add3A_106 = arith.constant 0 : i32
        %add3A_107 = arith.addi %mul3A_105, %add3A_106 : i32
        %mul3A_108 = arith.constant 16 : i32
        %mul3A_109 = arith.muli %add3A_107, %mul3A_108 : i32
        %add3A_110 = vector.broadcast %mul3A_109 : i32 to vector<16xi32>
        %add3A_111 = arith.addi %add3A_110, %iota3A : vector<16xi32>
        %mul3A_112 = arith.constant 16 : i32
        %mul3A_113 = arith.muli %add3A_107, %mul3A_112 : i32
        %get3A = arith.index_cast %mul3A_113 : i32 to index
        %get3A_114 = tpu.vector_load %arg4[%get3A] {strides = array<i32>} : memref<512xi32, #tpu.memory_space<vmem>>, vector<16xi32>,
        %sub3A_115 = vector.broadcast %sub3A_76 : i32 to vector<16xi32>
        %sub3A_116 = arith.subi %get3A_114, %sub3A_115 : vector<16xi32>
        %lt3A = arith.constant 40 : i32
        %lt3A_117 = vector.broadcast %lt3A : i32 to vector<16xi32>
        %lt3A_118 = arith.cmpi ult, %sub3A_116, %lt3A_117 : vector<16xi32>
        tpu.vector_store_idx %arg5[%sub3A_116, %add3A_111], %broadcast_in_dim3A_4 masked %lt3A_118 : memref<40x512xf32, #tpu.memory_space<vmem>>[vector<16xi32>, vector<16xi32>], vector<16xf32>, vector<16xi1>
        %sub3A_119 = vector.broadcast %mul3A_71 : i32 to vector<16xi32>
        %sub3A_120 = arith.subi %get3A_114, %sub3A_119 : vector<16xi32>
        %lt3A_121 = arith.constant 40 : i32
        %lt3A_122 = vector.broadcast %lt3A_121 : i32 to vector<16xi32>
        %lt3A_123 = arith.cmpi ult, %sub3A_120, %lt3A_122 : vector<16xi32>
        tpu.vector_store_idx %arg5[%sub3A_120, %add3A_111], %broadcast_in_dim3A_6 masked %lt3A_123 : memref<40x512xf32, #tpu.memory_space<vmem>>[vector<16xi32>, vector<16xi32>], vector<16xf32>, vector<16xi1>
        %mul3A_124 = arith.constant 4 : i32
        %mul3A_125 = arith.muli %scan3A_103, %mul3A_124 : i32
        %add3A_126 = arith.constant 1 : i32
        %add3A_127 = arith.addi %mul3A_125, %add3A_126 : i32
        %mul3A_128 = arith.constant 16 : i32
        %mul3A_129 = arith.muli %add3A_127, %mul3A_128 : i32
        %add3A_130 = vector.broadcast %mul3A_129 : i32 to vector<16xi32>
        %add3A_131 = arith.addi %add3A_130, %iota3A : vector<16xi32>
        %mul3A_132 = arith.constant 16 : i32
        %mul3A_133 = arith.muli %add3A_127, %mul3A_132 : i32
        %get3A_134 = arith.index_cast %mul3A_133 : i32 to index
        %get3A_135 = tpu.vector_load %arg4[%get3A_134] {strides = array<i32>} : memref<512xi32, #tpu.memory_space<vmem>>, vector<16xi32>,
        %sub3A_136 = vector.broadcast %sub3A_76 : i32 to vector<16xi32>
        %sub3A_137 = arith.subi %get3A_135, %sub3A_136 : vector<16xi32>
        %lt3A_138 = arith.constant 40 : i32
        %lt3A_139 = vector.broadcast %lt3A_138 : i32 to vector<16xi32>
        %lt3A_140 = arith.cmpi ult, %sub3A_137, %lt3A_139 : vector<16xi32>
        tpu.vector_store_idx %arg5[%sub3A_137, %add3A_131], %broadcast_in_dim3A_4 masked %lt3A_140 : memref<40x512xf32, #tpu.memory_space<vmem>>[vector<16xi32>, vector<16xi32>], vector<16xf32>, vector<16xi1>
        %sub3A_141 = vector.broadcast %mul3A_71 : i32 to vector<16xi32>
        %sub3A_142 = arith.subi %get3A_135, %sub3A_141 : vector<16xi32>
        %lt3A_143 = arith.constant 40 : i32
        %lt3A_144 = vector.broadcast %lt3A_143 : i32 to vector<16xi32>
        %lt3A_145 = arith.cmpi ult, %sub3A_142, %lt3A_144 : vector<16xi32>
        tpu.vector_store_idx %arg5[%sub3A_142, %add3A_131], %broadcast_in_dim3A_6 masked %lt3A_145 : memref<40x512xf32, #tpu.memory_space<vmem>>[vector<16xi32>, vector<16xi32>], vector<16xf32>, vector<16xi1>
        %mul3A_146 = arith.constant 4 : i32
        %mul3A_147 = arith.muli %scan3A_103, %mul3A_146 : i32
        %add3A_148 = arith.constant 2 : i32
        %add3A_149 = arith.addi %mul3A_147, %add3A_148 : i32
        %mul3A_150 = arith.constant 16 : i32
        %mul3A_151 = arith.muli %add3A_149, %mul3A_150 : i32
        %add3A_152 = vector.broadcast %mul3A_151 : i32 to vector<16xi32>
        %add3A_153 = arith.addi %add3A_152, %iota3A : vector<16xi32>
        %mul3A_154 = arith.constant 16 : i32
        %mul3A_155 = arith.muli %add3A_149, %mul3A_154 : i32
        %get3A_156 = arith.index_cast %mul3A_155 : i32 to index
        %get3A_157 = tpu.vector_load %arg4[%get3A_156] {strides = array<i32>} : memref<512xi32, #tpu.memory_space<vmem>>, vector<16xi32>,
        %sub3A_158 = vector.broadcast %sub3A_76 : i32 to vector<16xi32>
        %sub3A_159 = arith.subi %get3A_157, %sub3A_158 : vector<16xi32>
        %lt3A_160 = arith.constant 40 : i32
        %lt3A_161 = vector.broadcast %lt3A_160 : i32 to vector<16xi32>
        %lt3A_162 = arith.cmpi ult, %sub3A_159, %lt3A_161 : vector<16xi32>
        tpu.vector_store_idx %arg5[%sub3A_159, %add3A_153], %broadcast_in_dim3A_4 masked %lt3A_162 : memref<40x512xf32, #tpu.memory_space<vmem>>[vector<16xi32>, vector<16xi32>], vector<16xf32>, vector<16xi1>
        %sub3A_163 = vector.broadcast %mul3A_71 : i32 to vector<16xi32>
        %sub3A_164 = arith.subi %get3A_157, %sub3A_163 : vector<16xi32>
        %lt3A_165 = arith.constant 40 : i32
        %lt3A_166 = vector.broadcast %lt3A_165 : i32 to vector<16xi32>
        %lt3A_167 = arith.cmpi ult, %sub3A_164, %lt3A_166 : vector<16xi32>
        tpu.vector_store_idx %arg5[%sub3A_164, %add3A_153], %broadcast_in_dim3A_6 masked %lt3A_167 : memref<40x512xf32, #tpu.memory_space<vmem>>[vector<16xi32>, vector<16xi32>], vector<16xf32>, vector<16xi1>
        %mul3A_168 = arith.constant 4 : i32
        %mul3A_169 = arith.muli %scan3A_103, %mul3A_168 : i32
        %add3A_170 = arith.constant 3 : i32
        %add3A_171 = arith.addi %mul3A_169, %add3A_170 : i32
        %mul3A_172 = arith.constant 16 : i32
        %mul3A_173 = arith.muli %add3A_171, %mul3A_172 : i32
        %add3A_174 = vector.broadcast %mul3A_173 : i32 to vector<16xi32>
        %add3A_175 = arith.addi %add3A_174, %iota3A : vector<16xi32>
        %mul3A_176 = arith.constant 16 : i32
        %mul3A_177 = arith.muli %add3A_171, %mul3A_176 : i32
        %get3A_178 = arith.index_cast %mul3A_177 : i32 to index
        %get3A_179 = tpu.vector_load %arg4[%get3A_178] {strides = array<i32>} : memref<512xi32, #tpu.memory_space<vmem>>, vector<16xi32>,
        %sub3A_180 = vector.broadcast %sub3A_76 : i32 to vector<16xi32>
        %sub3A_181 = arith.subi %get3A_179, %sub3A_180 : vector<16xi32>
        %lt3A_182 = arith.constant 40 : i32
        %lt3A_183 = vector.broadcast %lt3A_182 : i32 to vector<16xi32>
        %lt3A_184 = arith.cmpi ult, %sub3A_181, %lt3A_183 : vector<16xi32>
        tpu.vector_store_idx %arg5[%sub3A_181, %add3A_175], %broadcast_in_dim3A_4 masked %lt3A_184 : memref<40x512xf32, #tpu.memory_space<vmem>>[vector<16xi32>, vector<16xi32>], vector<16xf32>, vector<16xi1>
        %sub3A_185 = vector.broadcast %mul3A_71 : i32 to vector<16xi32>
        %sub3A_186 = arith.subi %get3A_179, %sub3A_185 : vector<16xi32>
        %lt3A_187 = arith.constant 40 : i32
        %lt3A_188 = vector.broadcast %lt3A_187 : i32 to vector<16xi32>
        %lt3A_189 = arith.cmpi ult, %sub3A_186, %lt3A_188 : vector<16xi32>
        tpu.vector_store_idx %arg5[%sub3A_186, %add3A_175], %broadcast_in_dim3A_6 masked %lt3A_189 : memref<40x512xf32, #tpu.memory_space<vmem>>[vector<16xi32>, vector<16xi32>], vector<16xf32>, vector<16xi1>
      }
      %scan3A_82 = arith.constant 8 : i32
      %dma_start3A_83 = tpu.memref_slice %arg3[%mul3A_71, %mul3A_2] : memref<1000x16384xf32, #tpu.memory_space<hbm>> -> memref<40x512xf32, #tpu.memory_space<hbm>>
      %dma_start3A_84 = tpu.memref_slice %arg3[%mul3A_71, %mul3A_2] : memref<1000x16384xf32, #tpu.memory_space<hbm>> -> memref<40x512xf32, #tpu.memory_space<hbm>>
      tpu.enqueue_dma source(%arg5 : memref<40x512xf32, #tpu.memory_space<vmem>>) target(%dma_start3A_84 : memref<40x512xf32, #tpu.memory_space<hbm>>) target_semaphore(%arg7 : memref<!tpu.dma_semaphore, #tpu.memory_space<semaphore_mem>>)
      %dma_wait3A_85 = arith.constant 0 : i32
      %dma_wait3A_86 = tpu.memref_slice %arg3[%dma_wait3A_85, %mul3A_2] : memref<1000x16384xf32, #tpu.memory_space<hbm>> -> memref<40x512xf32, #tpu.memory_space<hbm>>
      %dma_wait3A_87 = arith.constant 0 : i32
      %dma_wait3A_88 = tpu.memref_slice %arg3[%dma_wait3A_87, %mul3A_2] : memref<1000x16384xf32, #tpu.memory_space<hbm>> -> memref<40x512xf32, #tpu.memory_space<hbm>>
      tpu.wait_dma2 semaphore(%arg8 : memref<!tpu.dma_semaphore, #tpu.memory_space<semaphore_mem>>) src(%arg6 : memref<40x512xf32, #tpu.memory_space<vmem>>) dst(%dma_wait3A_88 : memref<40x512xf32, #tpu.memory_space<hbm>>)
      %add3A_89 = arith.constant 40 : i32
      %add3A_90 = arith.addi %mul3A_71, %add3A_89 : i32
      %sub3A_91 = arith.constant 40 : i32
      %sub3A_92 = arith.subi %mul3A_71, %sub3A_91 : i32
      %scan3A_93 = arith.constant 0 : i32
      %scan3A_94 = arith.constant 0 : i32
      %scan3A_95 = arith.constant 8 : i32
      %scan3A_96 = arith.addi %scan3A_94, %scan3A_95 : i32
      %scan3A_97 = arith.constant 1 : i32
      scf.for %scan3A_103 = %scan3A_94 to %scan3A_96 step %scan3A_97  : i32 {
        %mul3A_104 = arith.constant 4 : i32
        %mul3A_105 = arith.muli %scan3A_103, %mul3A_104 : i32
        %add3A_106 = arith.constant 0 : i32
        %add3A_107 = arith.addi %mul3A_105, %add3A_106 : i32
        %mul3A_108 = arith.constant 16 : i32
        %mul3A_109 = arith.muli %add3A_107, %mul3A_108 : i32
        %add3A_110 = vector.broadcast %mul3A_109 : i32 to vector<16xi32>
        %add3A_111 = arith.addi %add3A_110, %iota3A : vector<16xi32>
        %mul3A_112 = arith.constant 16 : i32
        %mul3A_113 = arith.muli %add3A_107, %mul3A_112 : i32
        %get3A = arith.index_cast %mul3A_113 : i32 to index
        %get3A_114 = tpu.vector_load %arg4[%get3A] {strides = array<i32>} : memref<512xi32, #tpu.memory_space<vmem>>, vector<16xi32>,
        %sub3A_115 = vector.broadcast %sub3A_92 : i32 to vector<16xi32>
        %sub3A_116 = arith.subi %get3A_114, %sub3A_115 : vector<16xi32>
        %lt3A = arith.constant 40 : i32
        %lt3A_117 = vector.broadcast %lt3A : i32 to vector<16xi32>
        %lt3A_118 = arith.cmpi ult, %sub3A_116, %lt3A_117 : vector<16xi32>
        tpu.vector_store_idx %arg6[%sub3A_116, %add3A_111], %broadcast_in_dim3A_4 masked %lt3A_118 : memref<40x512xf32, #tpu.memory_space<vmem>>[vector<16xi32>, vector<16xi32>], vector<16xf32>, vector<16xi1>
        %sub3A_119 = vector.broadcast %add3A_90 : i32 to vector<16xi32>
        %sub3A_120 = arith.subi %get3A_114, %sub3A_119 : vector<16xi32>
        %lt3A_121 = arith.constant 40 : i32
        %lt3A_122 = vector.broadcast %lt3A_121 : i32 to vector<16xi32>
        %lt3A_123 = arith.cmpi ult, %sub3A_120, %lt3A_122 : vector<16xi32>
        tpu.vector_store_idx %arg6[%sub3A_120, %add3A_111], %broadcast_in_dim3A_6 masked %lt3A_123 : memref<40x512xf32, #tpu.memory_space<vmem>>[vector<16xi32>, vector<16xi32>], vector<16xf32>, vector<16xi1>
        %mul3A_124 = arith.constant 4 : i32
        %mul3A_125 = arith.muli %scan3A_103, %mul3A_124 : i32
        %add3A_126 = arith.constant 1 : i32
        %add3A_127 = arith.addi %mul3A_125, %add3A_126 : i32
        %mul3A_128 = arith.constant 16 : i32
        %mul3A_129 = arith.muli %add3A_127, %mul3A_128 : i32
        %add3A_130 = vector.broadcast %mul3A_129 : i32 to vector<16xi32>
        %add3A_131 = arith.addi %add3A_130, %iota3A : vector<16xi32>
        %mul3A_132 = arith.constant 16 : i32
        %mul3A_133 = arith.muli %add3A_127, %mul3A_132 : i32
        %get3A_134 = arith.index_cast %mul3A_133 : i32 to index
        %get3A_135 = tpu.vector_load %arg4[%get3A_134] {strides = array<i32>} : memref<512xi32, #tpu.memory_space<vmem>>, vector<16xi32>,
        %sub3A_136 = vector.broadcast %sub3A_92 : i32 to vector<16xi32>
        %sub3A_137 = arith.subi %get3A_135, %sub3A_136 : vector<16xi32>
        %lt3A_138 = arith.constant 40 : i32
        %lt3A_139 = vector.broadcast %lt3A_138 : i32 to vector<16xi32>
        %lt3A_140 = arith.cmpi ult, %sub3A_137, %lt3A_139 : vector<16xi32>
        tpu.vector_store_idx %arg6[%sub3A_137, %add3A_131], %broadcast_in_dim3A_4 masked %lt3A_140 : memref<40x512xf32, #tpu.memory_space<vmem>>[vector<16xi32>, vector<16xi32>], vector<16xf32>, vector<16xi1>
        %sub3A_141 = vector.broadcast %add3A_90 : i32 to vector<16xi32>
        %sub3A_142 = arith.subi %get3A_135, %sub3A_141 : vector<16xi32>
        %lt3A_143 = arith.constant 40 : i32
        %lt3A_144 = vector.broadcast %lt3A_143 : i32 to vector<16xi32>
        %lt3A_145 = arith.cmpi ult, %sub3A_142, %lt3A_144 : vector<16xi32>
        tpu.vector_store_idx %arg6[%sub3A_142, %add3A_131], %broadcast_in_dim3A_6 masked %lt3A_145 : memref<40x512xf32, #tpu.memory_space<vmem>>[vector<16xi32>, vector<16xi32>], vector<16xf32>, vector<16xi1>
        %mul3A_146 = arith.constant 4 : i32
        %mul3A_147 = arith.muli %scan3A_103, %mul3A_146 : i32
        %add3A_148 = arith.constant 2 : i32
        %add3A_149 = arith.addi %mul3A_147, %add3A_148 : i32
        %mul3A_150 = arith.constant 16 : i32
        %mul3A_151 = arith.muli %add3A_149, %mul3A_150 : i32
        %add3A_152 = vector.broadcast %mul3A_151 : i32 to vector<16xi32>
        %add3A_153 = arith.addi %add3A_152, %iota3A : vector<16xi32>
        %mul3A_154 = arith.constant 16 : i32
        %mul3A_155 = arith.muli %add3A_149, %mul3A_154 : i32
        %get3A_156 = arith.index_cast %mul3A_155 : i32 to index
        %get3A_157 = tpu.vector_load %arg4[%get3A_156] {strides = array<i32>} : memref<512xi32, #tpu.memory_space<vmem>>, vector<16xi32>,
        %sub3A_158 = vector.broadcast %sub3A_92 : i32 to vector<16xi32>
        %sub3A_159 = arith.subi %get3A_157, %sub3A_158 : vector<16xi32>
        %lt3A_160 = arith.constant 40 : i32
        %lt3A_161 = vector.broadcast %lt3A_160 : i32 to vector<16xi32>
        %lt3A_162 = arith.cmpi ult, %sub3A_159, %lt3A_161 : vector<16xi32>
        tpu.vector_store_idx %arg6[%sub3A_159, %add3A_153], %broadcast_in_dim3A_4 masked %lt3A_162 : memref<40x512xf32, #tpu.memory_space<vmem>>[vector<16xi32>, vector<16xi32>], vector<16xf32>, vector<16xi1>
        %sub3A_163 = vector.broadcast %add3A_90 : i32 to vector<16xi32>
        %sub3A_164 = arith.subi %get3A_157, %sub3A_163 : vector<16xi32>
        %lt3A_165 = arith.constant 40 : i32
        %lt3A_166 = vector.broadcast %lt3A_165 : i32 to vector<16xi32>
        %lt3A_167 = arith.cmpi ult, %sub3A_164, %lt3A_166 : vector<16xi32>
        tpu.vector_store_idx %arg6[%sub3A_164, %add3A_153], %broadcast_in_dim3A_6 masked %lt3A_167 : memref<40x512xf32, #tpu.memory_space<vmem>>[vector<16xi32>, vector<16xi32>], vector<16xf32>, vector<16xi1>
        %mul3A_168 = arith.constant 4 : i32
        %mul3A_169 = arith.muli %scan3A_103, %mul3A_168 : i32
        %add3A_170 = arith.constant 3 : i32
        %add3A_171 = arith.addi %mul3A_169, %add3A_170 : i32
        %mul3A_172 = arith.constant 16 : i32
        %mul3A_173 = arith.muli %add3A_171, %mul3A_172 : i32
        %add3A_174 = vector.broadcast %mul3A_173 : i32 to vector<16xi32>
        %add3A_175 = arith.addi %add3A_174, %iota3A : vector<16xi32>
        %mul3A_176 = arith.constant 16 : i32
        %mul3A_177 = arith.muli %add3A_171, %mul3A_176 : i32
        %get3A_178 = arith.index_cast %mul3A_177 : i32 to index
        %get3A_179 = tpu.vector_load %arg4[%get3A_178] {strides = array<i32>} : memref<512xi32, #tpu.memory_space<vmem>>, vector<16xi32>,
        %sub3A_180 = vector.broadcast %sub3A_92 : i32 to vector<16xi32>
        %sub3A_181 = arith.subi %get3A_179, %sub3A_180 : vector<16xi32>
        %lt3A_182 = arith.constant 40 : i32
        %lt3A_183 = vector.broadcast %lt3A_182 : i32 to vector<16xi32>
        %lt3A_184 = arith.cmpi ult, %sub3A_181, %lt3A_183 : vector<16xi32>
        tpu.vector_store_idx %arg6[%sub3A_181, %add3A_175], %broadcast_in_dim3A_4 masked %lt3A_184 : memref<40x512xf32, #tpu.memory_space<vmem>>[vector<16xi32>, vector<16xi32>], vector<16xf32>, vector<16xi1>
        %sub3A_185 = vector.broadcast %add3A_90 : i32 to vector<16xi32>
        %sub3A_186 = arith.subi %get3A_179, %sub3A_185 : vector<16xi32>
        %lt3A_187 = arith.constant 40 : i32
        %lt3A_188 = vector.broadcast %lt3A_187 : i32 to vector<16xi32>
        %lt3A_189 = arith.cmpi ult, %sub3A_186, %lt3A_188 : vector<16xi32>
        tpu.vector_store_idx %arg6[%sub3A_186, %add3A_175], %broadcast_in_dim3A_6 masked %lt3A_189 : memref<40x512xf32, #tpu.memory_space<vmem>>[vector<16xi32>, vector<16xi32>], vector<16xf32>, vector<16xi1>
      }
      %scan3A_98 = arith.constant 8 : i32
      %add3A_99 = arith.constant 40 : i32
      %add3A_100 = arith.addi %mul3A_71, %add3A_99 : i32
      %dma_start3A_101 = tpu.memref_slice %arg3[%add3A_100, %mul3A_2] : memref<1000x16384xf32, #tpu.memory_space<hbm>> -> memref<40x512xf32, #tpu.memory_space<hbm>>
      %dma_start3A_102 = tpu.memref_slice %arg3[%add3A_100, %mul3A_2] : memref<1000x16384xf32, #tpu.memory_space<hbm>> -> memref<40x512xf32, #tpu.memory_space<hbm>>
      tpu.enqueue_dma source(%arg6 : memref<40x512xf32, #tpu.memory_space<vmem>>) target(%dma_start3A_102 : memref<40x512xf32, #tpu.memory_space<hbm>>) target_semaphore(%arg8 : memref<!tpu.dma_semaphore, #tpu.memory_space<semaphore_mem>>)
    }
    %scan3A_44 = arith.constant 11 : i32
    %dma_wait3A_45 = arith.constant 0 : i32
    %dma_wait3A_46 = tpu.memref_slice %arg3[%dma_wait3A_45, %mul3A_2] : memref<1000x16384xf32, #tpu.memory_space<hbm>> -> memref<40x512xf32, #tpu.memory_space<hbm>>
    %dma_wait3A_47 = arith.constant 0 : i32
    %dma_wait3A_48 = tpu.memref_slice %arg3[%dma_wait3A_47, %mul3A_2] : memref<1000x16384xf32, #tpu.memory_space<hbm>> -> memref<40x512xf32, #tpu.memory_space<hbm>>
    tpu.wait_dma2 semaphore(%arg7 : memref<!tpu.dma_semaphore, #tpu.memory_space<semaphore_mem>>) src(%arg5 : memref<40x512xf32, #tpu.memory_space<vmem>>) dst(%dma_wait3A_48 : memref<40x512xf32, #tpu.memory_space<hbm>>)
    %scan3A_49 = arith.constant 0 : i32
    %scan3A_50 = arith.constant 0 : i32
    %scan3A_51 = arith.constant 8 : i32
    %scan3A_52 = arith.addi %scan3A_50, %scan3A_51 : i32
    %scan3A_53 = arith.constant 1 : i32
    scf.for %scan3A_67 = %scan3A_50 to %scan3A_52 step %scan3A_53  : i32 {
      %mul3A_68 = arith.constant 4 : i32
      %mul3A_69 = arith.muli %scan3A_67, %mul3A_68 : i32
      %add3A_70 = arith.constant 0 : i32
      %add3A_71 = arith.addi %mul3A_69, %add3A_70 : i32
      %mul3A_72 = arith.constant 16 : i32
      %mul3A_73 = arith.muli %add3A_71, %mul3A_72 : i32
      %add3A_74 = vector.broadcast %mul3A_73 : i32 to vector<16xi32>
      %add3A_75 = arith.addi %add3A_74, %iota3A : vector<16xi32>
      %mul3A_76 = arith.constant 16 : i32
      %mul3A_77 = arith.muli %add3A_71, %mul3A_76 : i32
      %get3A = arith.index_cast %mul3A_77 : i32 to index
      %get3A_78 = tpu.vector_load %arg4[%get3A] {strides = array<i32>} : memref<512xi32, #tpu.memory_space<vmem>>, vector<16xi32>,
      %sub3A = arith.constant 880 : i32
      %sub3A_79 = vector.broadcast %sub3A : i32 to vector<16xi32>
      %sub3A_80 = arith.subi %get3A_78, %sub3A_79 : vector<16xi32>
      %lt3A = arith.constant 40 : i32
      %lt3A_81 = vector.broadcast %lt3A : i32 to vector<16xi32>
      %lt3A_82 = arith.cmpi ult, %sub3A_80, %lt3A_81 : vector<16xi32>
      tpu.vector_store_idx %arg5[%sub3A_80, %add3A_75], %broadcast_in_dim3A_4 masked %lt3A_82 : memref<40x512xf32, #tpu.memory_space<vmem>>[vector<16xi32>, vector<16xi32>], vector<16xf32>, vector<16xi1>
      %sub3A_83 = arith.constant 960 : i32
      %sub3A_84 = vector.broadcast %sub3A_83 : i32 to vector<16xi32>
      %sub3A_85 = arith.subi %get3A_78, %sub3A_84 : vector<16xi32>
      %lt3A_86 = arith.constant 40 : i32
      %lt3A_87 = vector.broadcast %lt3A_86 : i32 to vector<16xi32>
      %lt3A_88 = arith.cmpi ult, %sub3A_85, %lt3A_87 : vector<16xi32>
      tpu.vector_store_idx %arg5[%sub3A_85, %add3A_75], %broadcast_in_dim3A_6 masked %lt3A_88 : memref<40x512xf32, #tpu.memory_space<vmem>>[vector<16xi32>, vector<16xi32>], vector<16xf32>, vector<16xi1>
      %mul3A_89 = arith.constant 4 : i32
      %mul3A_90 = arith.muli %scan3A_67, %mul3A_89 : i32
      %add3A_91 = arith.constant 1 : i32
      %add3A_92 = arith.addi %mul3A_90, %add3A_91 : i32
      %mul3A_93 = arith.constant 16 : i32
      %mul3A_94 = arith.muli %add3A_92, %mul3A_93 : i32
      %add3A_95 = vector.broadcast %mul3A_94 : i32 to vector<16xi32>
      %add3A_96 = arith.addi %add3A_95, %iota3A : vector<16xi32>
      %mul3A_97 = arith.constant 16 : i32
      %mul3A_98 = arith.muli %add3A_92, %mul3A_97 : i32
      %get3A_99 = arith.index_cast %mul3A_98 : i32 to index
      %get3A_100 = tpu.vector_load %arg4[%get3A_99] {strides = array<i32>} : memref<512xi32, #tpu.memory_space<vmem>>, vector<16xi32>,
      %sub3A_101 = arith.constant 880 : i32
      %sub3A_102 = vector.broadcast %sub3A_101 : i32 to vector<16xi32>
      %sub3A_103 = arith.subi %get3A_100, %sub3A_102 : vector<16xi32>
      %lt3A_104 = arith.constant 40 : i32
      %lt3A_105 = vector.broadcast %lt3A_104 : i32 to vector<16xi32>
      %lt3A_106 = arith.cmpi ult, %sub3A_103, %lt3A_105 : vector<16xi32>
      tpu.vector_store_idx %arg5[%sub3A_103, %add3A_96], %broadcast_in_dim3A_4 masked %lt3A_106 : memref<40x512xf32, #tpu.memory_space<vmem>>[vector<16xi32>, vector<16xi32>], vector<16xf32>, vector<16xi1>
      %sub3A_107 = arith.constant 960 : i32
      %sub3A_108 = vector.broadcast %sub3A_107 : i32 to vector<16xi32>
      %sub3A_109 = arith.subi %get3A_100, %sub3A_108 : vector<16xi32>
      %lt3A_110 = arith.constant 40 : i32
      %lt3A_111 = vector.broadcast %lt3A_110 : i32 to vector<16xi32>
      %lt3A_112 = arith.cmpi ult, %sub3A_109, %lt3A_111 : vector<16xi32>
      tpu.vector_store_idx %arg5[%sub3A_109, %add3A_96], %broadcast_in_dim3A_6 masked %lt3A_112 : memref<40x512xf32, #tpu.memory_space<vmem>>[vector<16xi32>, vector<16xi32>], vector<16xf32>, vector<16xi1>
      %mul3A_113 = arith.constant 4 : i32
      %mul3A_114 = arith.muli %scan3A_67, %mul3A_113 : i32
      %add3A_115 = arith.constant 2 : i32
      %add3A_116 = arith.addi %mul3A_114, %add3A_115 : i32
      %mul3A_117 = arith.constant 16 : i32
      %mul3A_118 = arith.muli %add3A_116, %mul3A_117 : i32
      %add3A_119 = vector.broadcast %mul3A_118 : i32 to vector<16xi32>
      %add3A_120 = arith.addi %add3A_119, %iota3A : vector<16xi32>
      %mul3A_121 = arith.constant 16 : i32
      %mul3A_122 = arith.muli %add3A_116, %mul3A_121 : i32
      %get3A_123 = arith.index_cast %mul3A_122 : i32 to index
      %get3A_124 = tpu.vector_load %arg4[%get3A_123] {strides = array<i32>} : memref<512xi32, #tpu.memory_space<vmem>>, vector<16xi32>,
      %sub3A_125 = arith.constant 880 : i32
      %sub3A_126 = vector.broadcast %sub3A_125 : i32 to vector<16xi32>
      %sub3A_127 = arith.subi %get3A_124, %sub3A_126 : vector<16xi32>
      %lt3A_128 = arith.constant 40 : i32
      %lt3A_129 = vector.broadcast %lt3A_128 : i32 to vector<16xi32>
      %lt3A_130 = arith.cmpi ult, %sub3A_127, %lt3A_129 : vector<16xi32>
      tpu.vector_store_idx %arg5[%sub3A_127, %add3A_120], %broadcast_in_dim3A_4 masked %lt3A_130 : memref<40x512xf32, #tpu.memory_space<vmem>>[vector<16xi32>, vector<16xi32>], vector<16xf32>, vector<16xi1>
      %sub3A_131 = arith.constant 960 : i32
      %sub3A_132 = vector.broadcast %sub3A_131 : i32 to vector<16xi32>
      %sub3A_133 = arith.subi %get3A_124, %sub3A_132 : vector<16xi32>
      %lt3A_134 = arith.constant 40 : i32
      %lt3A_135 = vector.broadcast %lt3A_134 : i32 to vector<16xi32>
      %lt3A_136 = arith.cmpi ult, %sub3A_133, %lt3A_135 : vector<16xi32>
      tpu.vector_store_idx %arg5[%sub3A_133, %add3A_120], %broadcast_in_dim3A_6 masked %lt3A_136 : memref<40x512xf32, #tpu.memory_space<vmem>>[vector<16xi32>, vector<16xi32>], vector<16xf32>, vector<16xi1>
      %mul3A_137 = arith.constant 4 : i32
      %mul3A_138 = arith.muli %scan3A_67, %mul3A_137 : i32
      %add3A_139 = arith.constant 3 : i32
      %add3A_140 = arith.addi %mul3A_138, %add3A_139 : i32
      %mul3A_141 = arith.constant 16 : i32
      %mul3A_142 = arith.muli %add3A_140, %mul3A_141 : i32
      %add3A_143 = vector.broadcast %mul3A_142 : i32 to vector<16xi32>
      %add3A_144 = arith.addi %add3A_143, %iota3A : vector<16xi32>
      %mul3A_145 = arith.constant 16 : i32
      %mul3A_146 = arith.muli %add3A_140, %mul3A_145 : i32
      %get3A_147 = arith.index_cast %mul3A_146 : i32 to index
      %get3A_148 = tpu.vector_load %arg4[%get3A_147] {strides = array<i32>} : memref<512xi32, #tpu.memory_space<vmem>>, vector<16xi32>,
      %sub3A_149 = arith.constant 880 : i32
      %sub3A_150 = vector.broadcast %sub3A_149 : i32 to vector<16xi32>
      %sub3A_151 = arith.subi %get3A_148, %sub3A_150 : vector<16xi32>
      %lt3A_152 = arith.constant 40 : i32
      %lt3A_153 = vector.broadcast %lt3A_152 : i32 to vector<16xi32>
      %lt3A_154 = arith.cmpi ult, %sub3A_151, %lt3A_153 : vector<16xi32>
      tpu.vector_store_idx %arg5[%sub3A_151, %add3A_144], %broadcast_in_dim3A_4 masked %lt3A_154 : memref<40x512xf32, #tpu.memory_space<vmem>>[vector<16xi32>, vector<16xi32>], vector<16xf32>, vector<16xi1>
      %sub3A_155 = arith.constant 960 : i32
      %sub3A_156 = vector.broadcast %sub3A_155 : i32 to vector<16xi32>
      %sub3A_157 = arith.subi %get3A_148, %sub3A_156 : vector<16xi32>
      %lt3A_158 = arith.constant 40 : i32
      %lt3A_159 = vector.broadcast %lt3A_158 : i32 to vector<16xi32>
      %lt3A_160 = arith.cmpi ult, %sub3A_157, %lt3A_159 : vector<16xi32>
      tpu.vector_store_idx %arg5[%sub3A_157, %add3A_144], %broadcast_in_dim3A_6 masked %lt3A_160 : memref<40x512xf32, #tpu.memory_space<vmem>>[vector<16xi32>, vector<16xi32>], vector<16xf32>, vector<16xi1>
    }
    %scan3A_54 = arith.constant 8 : i32
    %dma_start3A_55 = arith.constant 960 : i32
    %dma_start3A_56 = tpu.memref_slice %arg3[%dma_start3A_55, %mul3A_2] : memref<1000x16384xf32, #tpu.memory_space<hbm>> -> memref<40x512xf32, #tpu.memory_space<hbm>>
    %dma_start3A_57 = arith.constant 960 : i32
    %dma_start3A_58 = tpu.memref_slice %arg3[%dma_start3A_57, %mul3A_2] : memref<1000x16384xf32, #tpu.memory_space<hbm>> -> memref<40x512xf32, #tpu.memory_space<hbm>>
    tpu.enqueue_dma source(%arg5 : memref<40x512xf32, #tpu.memory_space<vmem>>) target(%dma_start3A_58 : memref<40x512xf32, #tpu.memory_space<hbm>>) target_semaphore(%arg7 : memref<!tpu.dma_semaphore, #tpu.memory_space<semaphore_mem>>)
    %dma_wait3A_59 = arith.constant 960 : i32
    %dma_wait3A_60 = tpu.memref_slice %arg3[%dma_wait3A_59, %mul3A_2] : memref<1000x16384xf32, #tpu.memory_space<hbm>> -> memref<40x512xf32, #tpu.memory_space<hbm>>
    %dma_wait3A_61 = arith.constant 960 : i32
    %dma_wait3A_62 = tpu.memref_slice %arg3[%dma_wait3A_61, %mul3A_2] : memref<1000x16384xf32, #tpu.memory_space<hbm>> -> memref<40x512xf32, #tpu.memory_space<hbm>>
    tpu.wait_dma2 semaphore(%arg7 : memref<!tpu.dma_semaphore, #tpu.memory_space<semaphore_mem>>) src(%arg5 : memref<40x512xf32, #tpu.memory_space<vmem>>) dst(%dma_wait3A_62 : memref<40x512xf32, #tpu.memory_space<hbm>>)
    %dma_wait3A_63 = arith.constant 0 : i32
    %dma_wait3A_64 = tpu.memref_slice %arg3[%dma_wait3A_63, %mul3A_2] : memref<1000x16384xf32, #tpu.memory_space<hbm>> -> memref<40x512xf32, #tpu.memory_space<hbm>>
    %dma_wait3A_65 = arith.constant 0 : i32
    %dma_wait3A_66 = tpu.memref_slice %arg3[%dma_wait3A_65, %mul3A_2] : memref<1000x16384xf32, #tpu.memory_space<hbm>> -> memref<40x512xf32, #tpu.memory_space<hbm>>
    tpu.wait_dma2 semaphore(%arg8 : memref<!tpu.dma_semaphore, #tpu.memory_space<semaphore_mem>>) src(%arg6 : memref<40x512xf32, #tpu.memory_space<vmem>>) dst(%dma_wait3A_66 : memref<40x512xf32, #tpu.memory_space<hbm>>)
    return
  }
}

</mosaic_0001>

<sc_bundles>
// kernel: kernel.3.cloned.1.call-start
scs
__scs_entry_jumppad:
0x0: {  	(pc) =	sbr.rel $0x88, $3  }
0x1: {  	(tag) =	ssettag $0x0;
	lr =	simm.s32 $0x1  }
0x2: {  	[smem:$0x3FA0] =	sst lr;
	_ =	strace $0xD0000000  }
0x3: {  	_ = 	snop  }
0x4: {  	_ = 	snop  }
0x5: {  	_ = 	snop  }
0x6: {  	_ = 	snop  }
0x7: {  	_ = 	snop  }
__scs_overlays_trampoline_lowered:
0x8: {  	[smem:$0x3FAF] =	sst s0  }
0x9: {  	[smem:$0x3FB0] =	sst s1  }
0xa: {  	[smem:$0x3FB1] =	sst s2  }
0xb: {  	[smem:$0x3FB2] =	sst s3  }
0xc: {  	[smem:$0x3FB3] =	sst s4  }
0xd: {  	[smem:$0x3FB4] =	sst s5  }
0xe: {  	[smem:$0x3FB5] =	sst s6  }
0xf: {  	[smem:$0x3FB6] =	sst s7  }
0x10: {  	[smem:$0x3FB7] =	sst s8  }
0x11: {  	[smem:$0x3FB8] =	sst s9;
	s0 =	simm.s32 @!p0 $0x0  }
0x12: {  	s1 =	sld [smem:$0x3F9E];
	s0 =	simm.s32 @p0 $0x1  }
0x13: {  	[smem:$0x3FB9] =	sst s0;
	s0 =	simm.s32 @!p1 $0x0  }
0x14: {  	s2 =	sld [smem:$0x3F9D];
	s0 =	simm.s32 @p1 $0x1  }
0x15: {  	[smem:$0x3FBA] =	sst s0;
	s0 =	simm.s32 @!p2 $0x0  }
0x16: {  	s3 =	sld [smem:$0x3FDB];
	s0 =	simm.s32 @p2 $0x1  }
0x17: {  	s4 =	simm.s32 $0x1BF5;
	[smem:$0x3FBC] =	sst s0  }
0x18: {  	s0 =	sld [smem:$0x3F9F];
	_ =	swait.ge [sflag:s4], $0x0  }
0x19: {  	s7 =	sld [smem:$0x3FA0]  }
0x1a: {  	s8 =	sadd.s32 $0xFFFFE003, lr  }
0x1b: {  	s9 =	sadd.s32 $0xFFFFFEF7, lr;
	s5 =	simm.s32 $0xFFFFFFFF;
	p2 =	slt.u32 s8, $0xFFFFF086  }
0x1c: {  	p1 =	slt.u32 s9, $0xF7A;
	s5 =	simm.s32 @!p2 $0x0  }
0x1d: {  	s5 =	simm.s32 @p1 $0x1;
	p0 =	seq.s32 s7, s2  }
0x1e: {  	s7 =	smul.u32 @!p0 $0xF7A, s2;
	p2 =	seq.s32 @!p0 s5, $0x0  }
0x1f: {  	s9 =	smul.u32 $0xF7A, s1;
	s8 =	simm.s32 @!p0 $0x1BF5;
	p2 =	por !p2, p0  }
0x20: {  	[sflag:s8] =	ssyncset.s32 @!p0 $0xFFFFF086;
	s6 =	sadd.s32 @!p0 s3, s7;
	s7 =	simm.s32 @!p0 $0x108  }
0x21: {  	s3 =	sadd.s32 s3, s9;
	s6 =	sadd.s32 @!p0 $0x88, s6;
	s7 =	simm.s32 @p2 $0x1082  }
0x22: {  	[simem:s7], [sflag:s8] =	dma.local @!p0 [hbm:s6], $0xF7A  }
0x23: {  	s9 =	sor.u32 $0xD0000000, s2;
	s6 =	simm.s32 $0x108;
	_ =	swait.ge @!p0 [sflag:s8], $0x0  }
0x24: {  	s3 =	sadd.s32 $0x88, s3;
	s6 =	simm.s32 @!p1 $0x1082;
	[sflag:s4] =	ssyncset.s32 $0xFFFFF086  }
0x25: {  	[simem:s6], [sflag:s4] =	dma.local [hbm:s3], $0xF7A  }
0x26: {  	[smem:$0x3FA0] =	sst s1;
	(tag) =	ssettag s2;
	_ =	strace s9  }
0x27: {  	s1 =	sld [smem:$0x3FB0]  }
0x28: {  	s2 =	sld [smem:$0x3FB1]  }
0x29: {  	s4 =	sld [smem:$0x3FB3]  }
0x2a: {  	p0 =	seq.s32 s5, $0x0;
	s5 =	sld [smem:$0x3FB4]  }
0x2b: {  	s6 =	sld [smem:$0x3FB5]  }
0x2c: {  	s7 =	sld [smem:$0x3FB6]  }
0x2d: {  	s3 =	simm.s32 $0x108;
	s8 =	sld [smem:$0x3FB7]  }
0x2e: {  	s3 =	simm.s32 @!p0 $0x1082;
	s9 =	sld [smem:$0x3FB8]  }
0x2f: {  	lr =	sadd.s32 s0, s3;
	s0 =	sld [smem:$0x3FAF]  }
0x30: {  	s3 =	sld [smem:$0x3FB2]  }
0x31: {  	[smem:$0x3FBB] =	sst s10  }
0x32: {  	s10 =	sld [smem:$0x3FB9];
	_ =	sdelay $0x3  }
0x33: {  	p0 =	seq.s32 s10, $0x1;
	s10 =	sld [smem:$0x3FBB];
	_ =	sdelay $0x3  }
0x34: {  	[smem:$0x3FBB] =	sst s10  }
0x35: {  	s10 =	sld [smem:$0x3FBA];
	_ =	sdelay $0x3  }
0x36: {  	p1 =	seq.s32 s10, $0x1;
	s10 =	sld [smem:$0x3FBB];
	_ =	sdelay $0x3  }
0x37: {  	[smem:$0x3FBB] =	sst s10  }
0x38: {  	s10 =	sld [smem:$0x3FBC]  }
0x39: {  	_ = 	snop;
	(pc) =	sbr.ind lr, $3  }
0x3a: {  	_ = 	snop  }
0x3b: {  	_ = 	snop  }
0x3c: {  	p2 =	seq.s32 s10, $0x1;
	s10 =	sld [smem:$0x3FBB]  }
0x3d: {  	_ =	shalt  }
0x3e: {  	_ =	shalt  }
0x3f: {  	_ =	shalt  }
0x40: {  	_ =	shalt  }
0x41: {  	_ =	shalt  }
0x42: {  	_ =	shalt  }
0x43: {  	_ =	shalt  }
0x44: {  	_ =	shalt  }
0x45: {  	_ =	shalt  }
0x46: {  	_ =	shalt  }
0x47: {  	_ =	shalt  }
0x48: {  	_ =	shalt  }
0x49: {  	_ =	shalt  }
0x4a: {  	_ =	shalt  }
0x4b: {  	_ =	shalt  }
0x4c: {  	_ =	shalt  }
0x4d: {  	_ =	shalt  }
0x4e: {  	_ =	shalt  }
0x4f: {  	_ =	shalt  }
0x50: {  	_ =	shalt  }
0x51: {  	_ =	shalt  }
0x52: {  	_ =	shalt  }
0x53: {  	_ =	shalt  }
0x54: {  	_ =	shalt  }
0x55: {  	_ =	shalt  }
0x56: {  	_ =	shalt  }
0x57: {  	_ =	shalt  }
0x58: {  	_ =	shalt  }
0x59: {  	_ =	shalt  }
0x5a: {  	_ =	shalt  }
0x5b: {  	_ =	shalt  }
0x5c: {  	_ =	shalt  }
0x5d: {  	_ =	shalt  }
0x5e: {  	_ =	shalt  }
0x5f: {  	_ =	shalt  }
0x60: {  	_ =	shalt  }
0x61: {  	_ =	shalt  }
0x62: {  	_ =	shalt  }
0x63: {  	_ =	shalt  }
0x64: {  	_ =	shalt  }
0x65: {  	_ =	shalt  }
0x66: {  	_ =	shalt  }
0x67: {  	_ =	shalt  }
0x68: {  	_ =	shalt  }
0x69: {  	_ =	shalt  }
0x6a: {  	_ =	shalt  }
0x6b: {  	_ =	shalt  }
0x6c: {  	_ =	shalt  }
0x6d: {  	_ =	shalt  }
0x6e: {  	_ =	shalt  }
0x6f: {  	_ =	shalt  }
0x70: {  	_ =	shalt  }
0x71: {  	_ =	shalt  }
0x72: {  	_ =	shalt  }
0x73: {  	_ =	shalt  }
0x74: {  	_ =	shalt  }
0x75: {  	_ =	shalt  }
0x76: {  	_ =	shalt  }
0x77: {  	_ =	shalt  }
0x78: {  	_ =	shalt  }
0x79: {  	_ =	shalt  }
0x7a: {  	_ =	shalt  }
0x7b: {  	_ =	shalt  }
0x7c: {  	_ =	shalt  }
0x7d: {  	_ =	shalt  }
0x7e: {  	_ =	shalt  }
0x7f: {  	_ =	shalt  }
0x80: {  	_ =	shalt  }
0x81: {  	_ =	shalt  }
0x82: {  	_ =	shalt  }
0x83: {  	_ =	shalt  }
0x84: {  	_ =	shalt  }
0x85: {  	_ =	shalt  }
0x86: {  	_ =	shalt  }
0x87: {  	_ =	shalt  }
.Lfunc_end0:
.L_simem_size_0:
called_computation_lowered:
.L_overlay_start_0:
0x88: {  	s2 =	sld [smem:$0x3FD9]  }
0x89: {  	s3 =	sld [smem:$0x3FFE];
	_ =	sdelay $0x1  }
0x8a: {  	s1 =	srdreg.scid  }
0x8b: {  	s0 =	sand.u32 $0x1, s1  }
0x8c: {  	s18 =	sshll.u32 s0, $0xA;
	s2 =	sadd.s32 s3, s2  }
0x8d: {  	s2 =	sadd.s32 s2, s18  }
0x8e: {  	[smem:$0x3FC7] =	sst s2  }
0x8f: {  	_ = 	snop  }
0x90: {  	s2 =	sld [smem:$0x3FC9]  }
0x91: {  	s19 =	sld [smem:$0x3FD0];
	(tm) =	ssettm $0x1  }
0x92: {  	s4 =	sld [smem:$0x3FFB];
	_ =	sdelay $0x3  }
0x93: {  	_ =	strace s4  }
0x94: {  	s4 =	sld [smem:$0x3FFC];
	_ =	sdelay $0x3  }
0x95: {  	_ =	strace s4  }
0x96: {  	s4 =	sld [smem:$0x3FFD];
	_ =	sdelay $0x3  }
0x97: {  	_ =	strace s4  }
0x98: {  	_ =	strace $0x8FFFFFFF  }
0x99: {  	s20 =	sld [smem:$0x3FDB];
	_ =	sdelay $0x1  }
0x9a: {  	s5 =	simm.s32 $_scs_section_size  }
0x9b: {  	s6 =	simm.s32 $_size__tile_overlayer_lowered;
	s7 =	simm.s32 $_tile_overlayer_lowered  }
0x9c: {  	s23 =	simm.s32 $0x1BFF;
	s22 =	sshll.u32 s7, $0x1;
	s4 =	sadd.s32 s5, s20  }
0x9d: {  	s8 =	simm.s32 $0x0;
	s21 =	sshll.u32 s6, $0x1;
	s6 =	sadd.s32 s22, s4  }
0x9e: {  	[timem:s8], [sflag:s23] =	dma.local [hbm:s6], s21  }
0x9f: {  	_ =	swait.ge [sflag:s23], s21  }
0xa0: {  	s5 =	ssub.s32 $0x0, s21;
	[sflag:s23] =	ssyncset.done $0x0  }
0xa1: {  	[sflag:s23] =	ssyncadd.s32 s5;
	_ =	sdelay $0x1  }
0xa2: {  	s24 =	simm.s32 $0x1B8B  }
0xa3: {  	_ =	swait.ge [sflag:s24], $0x1  }
0xa4: {  	[sflag:s24] =	ssyncset.done $0x0  }
0xa5: {  	s25 =	simm.s32 $0x1B8E;
	[sflag:s24] =	ssyncadd.s32 $0xFFFFFFFF  }
0xa6: {  	s26 =	simm.s32 $execute0_lowered;
	[smem:$0x3FD2] =	sst s25  }
0xa7: {  	s5 =	sshll.u32 s26, $0x1;
	_ =	strace $0x80000046;
	[dreg:$0x1] =	wrdreg $0xFFFFFFFF  }
0xa8: {  	s28 =	simm.s32 $_size_execute0_lowered;
	s4 =	sadd.s32 s4, s5;
	[dreg:$0x0] =	wrdreg $0x0  }
0xa9: {  	s5 =	sshll.u32 s28, $0x1;
	[dreg:$0x2] =	wrdreg s4  }
0xaa: {  	[dreg:$0x3] =	wrdreg s5  }
0xab: {  	[dreg:$0x4] =	wrdreg $0xC0  }
0xac: {  	_ =	task [dreg:s8], $0x5FFFF  }
0xad: {  	[dreg:$0x1] =	wrdreg $0xFFFFFFFF  }
0xae: {  	[dreg:$0x0] =	wrdreg $0x60  }
0xaf: {  	[dreg:$0x2] =	wrdreg s2  }
0xb0: {  	[dreg:$0x3] =	wrdreg s19  }
0xb1: {  	[dreg:$0x4] =	wrdreg $0x9  }
0xb2: {  	_ =	task.clear_ibuf [dreg:s8], $0x5FFFF;
	_ =	strace $0x90000046  }
0xb3: {  	s29 =	simm.s32 $0x9;
	_ =	strace $0x80000048  }
0xb4: {  	_ =	swait.ge [sflag:s29], $0x1  }
0xb5: {  	[sflag:s29] =	ssyncadd.s32 $0xFFFFFFFF  }
0xb6: {  	_ =	strace $0x90000048  }
0xb7: {  	_ =	sfence  }
0xb8: {  	s30 =	sld [smem:$0x0];
	_ =	sdelay $0x2  }
0xb9: {  	s31 =	sshll.u32 s1, $0xD;
	s1 =	sshrl.u32 s1, $0x2  }
0xba: {  	s3 =	sand.u32 $0x4000, s31;
	s1 =	sadd.s32 s1, s30  }
0xbb: {  	s0 =	sor.u32 s3, s0;
	s1 =	sshll.u32 s1, $0x11  }
0xbc: {  	s0 =	sor.u32 s1, s0  }
0xbd: {  	s0 =	sadd.s32 $0x8F2B, s0  }
0xbe: {  	[sflag:s0] =	ssyncadd.remote.s32 $0x1  }
0xbf: {  	_ =	sfence.sel $0xFFFF  }
0xc0: {  	[dreg:$0x0] =	wrdreg $0xFFFFFFFF;
	(pc) =	sbr.abs _section_cstart, $3  }
0xc1: {  	[dreg:$0x1] =	wrdreg $0xFFFFFFFF  }
0xc2: {  	_ =	task.clear_ibuf [dreg:s8], $0x2FFFF;
	_ =	strace $0x9FFFFFFF  }
0xc3: {  	(tm) =	ssettm $0x7FFFFFFF  }
tec
execute0_lowered:
.L_overlay_start_1:
0x0: {  	(tag) =	ssettag $0x1  }
0x1: {  	s4 =	rddreg [dreg:$0x0]  }
0x2: {  	s3 =	rddreg [dreg:$0x1]  }
0x3: {  	s0 =	rddreg [dreg:$0x2];
	s2 =	simm.s32 $0x0;
	s5 =	srdreg.scid  }
0x4: {  	s1 =	stileid.u32;
	s9 =	simm.s32 $0x200;
	s10 =	simm.s32 $0x1000  }
0x5: {  	s11 =	simm.s32 $0x20000;
	s12 =	simm.s32 $0x5200;
	s13 =	simm.s32 $0x1  }
0x6: {  	s14 =	simm.s32 $0x2;
	s15 =	simm.s32 $0x0;
	s5 =	sand.u32 $0x1, s5  }
0x7: {  	s7 =	sshll.u32 s1, $0xA;
	s6 =	ssub.s32 $0x2, s5;
	s5 =	sshll.u32 s5, $0x9  }
0x8: {  	[smem:$0x7FF] =	sst s2;
	s8 =	sshrl.u32 s6, $0x1;
	s5 =	sor.u32 s5, s7  }
0x9: {  	_ =	strace $0x80000047;
	s30 =	ssub.s32 s6, s8;
	s31 =	sshrl.u32 s5, $0x3  }
0xa: {  	s3 =	sadd.s32 s3, s5;
	s8 =	simm.s32 $0x3;
	s4 =	sadd.s32 s4, s31  }
0xb: {  	v0 =	vimm.f32 $0.0e+00;
	v1 =	vlaneseq.u32;
	v2 =	vimm.f32 $1.000000000e+00;
	s5 =	sadd.s32 $0x14000, s3;
	s6 =	sadd.s32 $0x1E0000, s3;
	s7 =	smax.u32 s30, $0x1  }
.LBB2_1:
0xc: {  	[tilespmem:s2], [sflag:$0x3] =	stream.linear.gather [hbm4b:s4+s2], $0x200, $0x38;
	[tilespmem:$0xA200] =	vst v63  }
0xd: {  	s16 =	sand.u32 $0x7000, s2;
	s17 =	sand.u32 $0x380, s2  }
0xe: {  	s16 =	sor.u32 s17, s16  }
0xf: {  	[tilespmem:s16+$0xE70] =	vst v0  }
0x10: {  	[tilespmem:s16+$0x200] =	vst v0  }
0x11: {  	[tilespmem:s16+$0x210] =	vst v0  }
0x12: {  	[tilespmem:s16+$0x220] =	vst v0  }
0x13: {  	[tilespmem:s16+$0x230] =	vst v0  }
0x14: {  	[tilespmem:s16+$0x240] =	vst v0  }
0x15: {  	[tilespmem:s16+$0x250] =	vst v0  }
0x16: {  	[tilespmem:s16+$0x260] =	vst v0  }
0x17: {  	[tilespmem:s16+$0x270] =	vst v0  }
0x18: {  	[tilespmem:s16+$0x600] =	vst v0  }
0x19: {  	[tilespmem:s16+$0x610] =	vst v0  }
0x1a: {  	[tilespmem:s16+$0x620] =	vst v0  }
0x1b: {  	[tilespmem:s16+$0x630] =	vst v0  }
0x1c: {  	[tilespmem:s16+$0x640] =	vst v0  }
0x1d: {  	[tilespmem:s16+$0x650] =	vst v0  }
0x1e: {  	[tilespmem:s16+$0x660] =	vst v0  }
0x1f: {  	[tilespmem:s16+$0x670] =	vst v0  }
0x20: {  	[tilespmem:s16+$0xA00] =	vst v0  }
0x21: {  	[tilespmem:s16+$0xA10] =	vst v0  }
0x22: {  	[tilespmem:s16+$0xA20] =	vst v0  }
0x23: {  	[tilespmem:s16+$0xA30] =	vst v0  }
0x24: {  	[tilespmem:s16+$0xA40] =	vst v0  }
0x25: {  	[tilespmem:s16+$0xA50] =	vst v0  }
0x26: {  	[tilespmem:s16+$0xA60] =	vst v0  }
0x27: {  	[tilespmem:s16+$0xA70] =	vst v0  }
0x28: {  	[tilespmem:s16+$0xE00] =	vst v0  }
0x29: {  	[tilespmem:s16+$0xE10] =	vst v0  }
0x2a: {  	[tilespmem:s16+$0xE20] =	vst v0  }
0x2b: {  	[tilespmem:s16+$0xE30] =	vst v0  }
0x2c: {  	s18 =	simm.s32 $0x200;
	s17 =	simm.s32 $0x80;
	[tilespmem:s16+$0xE40] =	vst v0  }
0x2d: {  	s19 =	sand.u32 $0x7000, s18;
	s18 =	simm.s32 $0x400;
	s20 =	sand.u32 $0x380, s17;
	[tilespmem:s16+$0xE50] =	vst v0  }
.LBB2_2:
0x2e: {  	p0 =	sne.s32 s18, $0x4E00;
	[tilespmem:s16+$0xE60] =	vst v0;
	s16 =	sor.u32 s20, s19  }
0x2f: {  	[tilespmem:s16+$0xE70] =	vst v0  }
0x30: {  	[tilespmem:s16+$0x200] =	vst v0  }
0x31: {  	[tilespmem:s16+$0x210] =	vst v0  }
0x32: {  	[tilespmem:s16+$0x220] =	vst v0  }
0x33: {  	[tilespmem:s16+$0x230] =	vst v0  }
0x34: {  	[tilespmem:s16+$0x240] =	vst v0  }
0x35: {  	[tilespmem:s16+$0x250] =	vst v0  }
0x36: {  	[tilespmem:s16+$0x260] =	vst v0  }
0x37: {  	[tilespmem:s16+$0x270] =	vst v0  }
0x38: {  	[tilespmem:s16+$0x600] =	vst v0  }
0x39: {  	[tilespmem:s16+$0x610] =	vst v0  }
0x3a: {  	[tilespmem:s16+$0x620] =	vst v0  }
0x3b: {  	[tilespmem:s16+$0x630] =	vst v0  }
0x3c: {  	[tilespmem:s16+$0x640] =	vst v0  }
0x3d: {  	[tilespmem:s16+$0x650] =	vst v0  }
0x3e: {  	[tilespmem:s16+$0x660] =	vst v0  }
0x3f: {  	[tilespmem:s16+$0x670] =	vst v0  }
0x40: {  	[tilespmem:s16+$0xA00] =	vst v0  }
0x41: {  	[tilespmem:s16+$0xA10] =	vst v0  }
0x42: {  	[tilespmem:s16+$0xA20] =	vst v0  }
0x43: {  	[tilespmem:s16+$0xA30] =	vst v0  }
0x44: {  	[tilespmem:s16+$0xA40] =	vst v0  }
0x45: {  	[tilespmem:s16+$0xA50] =	vst v0  }
0x46: {  	[tilespmem:s16+$0xA60] =	vst v0  }
0x47: {  	[tilespmem:s16+$0xA70] =	vst v0  }
0x48: {  	[tilespmem:s16+$0xE00] =	vst v0  }
.Ltmp0:
0x49: {  	[tilespmem:s16+$0xE10] =	vst v0;
	(pc) =	sbr.rel @p0 .LBB2_2-.Ltmp0, $4  }
0x4a: {  	[tilespmem:s16+$0xE20] =	vst v0  }
0x4b: {  	[tilespmem:s16+$0xE30] =	vst v0  }
0x4c: {  	s17 =	sadd.s32 $0x80, s17;
	[tilespmem:s16+$0xE40] =	vst v0  }
0x4d: {  	s19 =	sand.u32 $0x7000, s18;
	s18 =	sadd.s32 $0x200, s18;
	s20 =	sand.u32 $0x380, s17;
	[tilespmem:s16+$0xE50] =	vst v0  }
0x4e: {  	s17 =	sor.u32 s20, s19;
	[tilespmem:s16+$0xE60] =	vst v0  }
0x4f: {  	[tilespmem:s17+$0xE70] =	vst v0  }
0x50: {  	[tilespmem:s17+$0x200] =	vst v0  }
0x51: {  	[tilespmem:s17+$0x210] =	vst v0  }
0x52: {  	[tilespmem:s17+$0x220] =	vst v0  }
0x53: {  	[tilespmem:s17+$0x230] =	vst v0  }
0x54: {  	[tilespmem:s17+$0x240] =	vst v0  }
0x55: {  	[tilespmem:s17+$0x250] =	vst v0  }
0x56: {  	[tilespmem:s17+$0x260] =	vst v0  }
0x57: {  	[tilespmem:s17+$0x270] =	vst v0  }
0x58: {  	[tilespmem:s17+$0x600] =	vst v0  }
0x59: {  	[tilespmem:s17+$0x610] =	vst v0  }
0x5a: {  	[tilespmem:s17+$0x620] =	vst v0  }
0x5b: {  	[tilespmem:s17+$0x630] =	vst v0  }
0x5c: {  	[tilespmem:s17+$0x640] =	vst v0  }
0x5d: {  	[tilespmem:s17+$0x650] =	vst v0  }
0x5e: {  	[tilespmem:s17+$0x660] =	vst v0  }
0x5f: {  	[tilespmem:s17+$0x670] =	vst v0  }
0x60: {  	[tilespmem:s17+$0xA00] =	vst v0  }
0x61: {  	[tilespmem:s17+$0xA10] =	vst v0  }
0x62: {  	[tilespmem:s17+$0xA20] =	vst v0  }
0x63: {  	[tilespmem:s17+$0xA30] =	vst v0  }
0x64: {  	[tilespmem:s17+$0xA40] =	vst v0  }
0x65: {  	[tilespmem:s17+$0xA50] =	vst v0  }
0x66: {  	[tilespmem:s17+$0xA60] =	vst v0  }
0x67: {  	[tilespmem:s17+$0xA70] =	vst v0  }
0x68: {  	[tilespmem:s17+$0xE00] =	vst v0  }
0x69: {  	[tilespmem:s17+$0xE10] =	vst v0  }
0x6a: {  	[tilespmem:s17+$0xE20] =	vst v0  }
0x6b: {  	[tilespmem:s17+$0xE30] =	vst v0  }
0x6c: {  	[tilespmem:s17+$0xE40] =	vst v0  }
0x6d: {  	[tilespmem:s17+$0xE50] =	vst v0  }
0x6e: {  	[tilespmem:s17+$0xE60] =	vst v0  }
0x6f: {  	_ =	swait.ge [sflag:s8], $0x200  }
0x70: {  	[sflag:s8] =	ssyncset.done $0x0  }
0x71: {  	s16 =	simm.s32 $0x0;
	s17 =	simm.s32 $0x20;
	[sflag:s8] =	ssyncadd.s32 $0xFFFFFE00  }
.LBB2_4:
0x72: {  	v3 =	vld [tilespmem:s17+$0xFFFFFFE0];
	_ =	sdelay $0x2  }
0x73: {  	v4 =	vmov s16  }
0x74: {  	v5 =	vor.u32 s16, v1;
	v4 =	vshll.u32 v4, $0x3  }
0x75: {  	v5 =	vand.u32 $0x4F, v5;
	v4 =	vand.u32 $0xC00, v4;
	v6 =	vshll.u32 v3, $0x9  }
0x76: {  	v4 =	vor.u32 v4, v5;
	v51 =	vshll.u32 v3, $0x7;
	v6 =	vand.u32 $0xFFFFF000, v6  }
0x77: {  	vm0 =	vlt.u32 v3, $0x28;
	v3 =	vand.u32 $0x380, v51;
	v4 =	vor.u32 v6, v4  }
0x78: {  	v3 =	vor.u32 v3, v4;
	_ =	sdelay $0x4  }
0x79: {  	[tilespmem:v3+s9+$0x0] =	vst.idx.msk vm0, v2  }
0x7a: {  	v3 =	vld [tilespmem:s17+$0xFFFFFFF0];
	_ =	sdelay $0x1  }
0x7b: {  	s18 =	sadd.s32 $0x10, s16  }
0x7c: {  	v52 =	vmov s18  }
0x7d: {  	v53 =	vor.u32 s18, v1;
	v4 =	vshll.u32 v52, $0x3  }
0x7e: {  	v5 =	vand.u32 $0x5F, v53;
	v4 =	vand.u32 $0xC00, v4;
	v54 =	vshll.u32 v3, $0x9  }
0x7f: {  	v4 =	vor.u32 v4, v5;
	v55 =	vshll.u32 v3, $0x7;
	v6 =	vand.u32 $0xFFFFF000, v54  }
0x80: {  	vm13 =	vlt.u32 v3, $0x28;
	v3 =	vand.u32 $0x380, v55;
	v4 =	vor.u32 v6, v4  }
0x81: {  	v3 =	vor.u32 v3, v4;
	_ =	sdelay $0x4  }
0x82: {  	[tilespmem:v3+s9+$0x0] =	vst.idx.msk vm13, v2  }
0x83: {  	v3 =	vld [tilespmem:s17+$0x0];
	_ =	sdelay $0x1  }
0x84: {  	s30 =	sadd.s32 $0x20, s16  }
0x85: {  	v56 =	vmov s30  }
0x86: {  	v57 =	vor.u32 s30, v1;
	v4 =	vshll.u32 v56, $0x3  }
0x87: {  	v5 =	vand.u32 $0x6F, v57;
	v4 =	vand.u32 $0xC00, v4;
	v58 =	vshll.u32 v3, $0x9  }
0x88: {  	v4 =	vor.u32 v4, v5;
	v59 =	vshll.u32 v3, $0x7;
	v6 =	vand.u32 $0xFFFFF000, v58  }
0x89: {  	vm14 =	vlt.u32 v3, $0x28;
	v3 =	vand.u32 $0x380, v59;
	v4 =	vor.u32 v6, v4  }
0x8a: {  	v3 =	vor.u32 v3, v4;
	_ =	sdelay $0x4  }
0x8b: {  	[tilespmem:v3+s9+$0x0] =	vst.idx.msk vm14, v2  }
0x8c: {  	v3 =	vld [tilespmem:s17+$0x10];
	_ =	sdelay $0x1  }
0x8d: {  	s31 =	sadd.s32 $0x30, s16  }
0x8e: {  	v60 =	vmov s31  }
0x8f: {  	v61 =	vor.u32 s31, v1;
	v4 =	vshll.u32 v60, $0x3  }
0x90: {  	v5 =	vand.u32 $0x7F, v61;
	v4 =	vand.u32 $0xC00, v4;
	v62 =	vshll.u32 v3, $0x9  }
0x91: {  	v4 =	vor.u32 v4, v5;
	v63 =	vshll.u32 v3, $0x7;
	v6 =	vand.u32 $0xFFFFF000, v62  }
0x92: {  	vm15 =	vlt.u32 v3, $0x28;
	v3 =	vand.u32 $0x380, v63;
	v4 =	vor.u32 v6, v4  }
0x93: {  	p0 =	sne.s32 s16, $0x1C0;
	v3 =	vor.u32 v3, v4  }
.Ltmp1:
0x94: {  	_ = 	snop;
	(pc) =	sbr.rel @p0 .LBB2_4-.Ltmp1, $2  }
0x95: {  	_ =	sdelay $0x2  }
0x96: {  	s16 =	sadd.s32 $0x40, s16;
	s17 =	sadd.s32 $0x40, s17;
	[tilespmem:v3+s9+$0x0] =	vst.idx.msk vm15, v2  }
0x97: {  	[hbm4b:s3+s10] =	stream.strided.scatter [tilespmem:s9], [sflag:$0x1], $0x5000, s11, s10, $0x38;
	[tilespmem:$0xA200] =	vst v63  }
0x98: {  	s16 =	simm.s32 $0x0  }
0x99: {  	s17 =	sand.u32 $0x7000, s16;
	s18 =	sand.u32 $0x380, s16  }
0x9a: {  	s17 =	sor.u32 s18, s17  }
0x9b: {  	[tilespmem:s17+$0x5E70] =	vst v0  }
0x9c: {  	[tilespmem:s17+$0x5200] =	vst v0  }
0x9d: {  	[tilespmem:s17+$0x5210] =	vst v0  }
0x9e: {  	[tilespmem:s17+$0x5220] =	vst v0  }
0x9f: {  	[tilespmem:s17+$0x5230] =	vst v0  }
0xa0: {  	[tilespmem:s17+$0x5240] =	vst v0  }
0xa1: {  	[tilespmem:s17+$0x5250] =	vst v0  }
0xa2: {  	[tilespmem:s17+$0x5260] =	vst v0  }
0xa3: {  	[tilespmem:s17+$0x5270] =	vst v0  }
0xa4: {  	[tilespmem:s17+$0x5600] =	vst v0  }
0xa5: {  	[tilespmem:s17+$0x5610] =	vst v0  }
0xa6: {  	[tilespmem:s17+$0x5620] =	vst v0  }
0xa7: {  	[tilespmem:s17+$0x5630] =	vst v0  }
0xa8: {  	[tilespmem:s17+$0x5640] =	vst v0  }
0xa9: {  	[tilespmem:s17+$0x5650] =	vst v0  }
0xaa: {  	[tilespmem:s17+$0x5660] =	vst v0  }
0xab: {  	[tilespmem:s17+$0x5670] =	vst v0  }
0xac: {  	[tilespmem:s17+$0x5A00] =	vst v0  }
0xad: {  	[tilespmem:s17+$0x5A10] =	vst v0  }
0xae: {  	[tilespmem:s17+$0x5A20] =	vst v0  }
0xaf: {  	[tilespmem:s17+$0x5A30] =	vst v0  }
0xb0: {  	[tilespmem:s17+$0x5A40] =	vst v0  }
0xb1: {  	[tilespmem:s17+$0x5A50] =	vst v0  }
0xb2: {  	[tilespmem:s17+$0x5A60] =	vst v0  }
0xb3: {  	[tilespmem:s17+$0x5A70] =	vst v0  }
0xb4: {  	[tilespmem:s17+$0x5E00] =	vst v0  }
0xb5: {  	[tilespmem:s17+$0x5E10] =	vst v0  }
0xb6: {  	[tilespmem:s17+$0x5E20] =	vst v0  }
0xb7: {  	[tilespmem:s17+$0x5E30] =	vst v0  }
0xb8: {  	s19 =	simm.s32 $0x200;
	s18 =	simm.s32 $0x80;
	[tilespmem:s17+$0x5E40] =	vst v0  }
0xb9: {  	s20 =	sand.u32 $0x7000, s19;
	s19 =	simm.s32 $0x400;
	s21 =	sand.u32 $0x380, s18;
	[tilespmem:s17+$0x5E50] =	vst v0  }
.LBB2_6:
0xba: {  	p0 =	sne.s32 s19, $0x4E00;
	[tilespmem:s17+$0x5E60] =	vst v0;
	s17 =	sor.u32 s21, s20  }
0xbb: {  	[tilespmem:s17+$0x5E70] =	vst v0  }
0xbc: {  	[tilespmem:s17+$0x5200] =	vst v0  }
0xbd: {  	[tilespmem:s17+$0x5210] =	vst v0  }
0xbe: {  	[tilespmem:s17+$0x5220] =	vst v0  }
0xbf: {  	[tilespmem:s17+$0x5230] =	vst v0  }
0xc0: {  	[tilespmem:s17+$0x5240] =	vst v0  }
0xc1: {  	[tilespmem:s17+$0x5250] =	vst v0  }
0xc2: {  	[tilespmem:s17+$0x5260] =	vst v0  }
0xc3: {  	[tilespmem:s17+$0x5270] =	vst v0  }
0xc4: {  	[tilespmem:s17+$0x5600] =	vst v0  }
0xc5: {  	[tilespmem:s17+$0x5610] =	vst v0  }
0xc6: {  	[tilespmem:s17+$0x5620] =	vst v0  }
0xc7: {  	[tilespmem:s17+$0x5630] =	vst v0  }
0xc8: {  	[tilespmem:s17+$0x5640] =	vst v0  }
0xc9: {  	[tilespmem:s17+$0x5650] =	vst v0  }
0xca: {  	[tilespmem:s17+$0x5660] =	vst v0  }
0xcb: {  	[tilespmem:s17+$0x5670] =	vst v0  }
0xcc: {  	[tilespmem:s17+$0x5A00] =	vst v0  }
0xcd: {  	[tilespmem:s17+$0x5A10] =	vst v0  }
0xce: {  	[tilespmem:s17+$0x5A20] =	vst v0  }
0xcf: {  	[tilespmem:s17+$0x5A30] =	vst v0  }
0xd0: {  	[tilespmem:s17+$0x5A40] =	vst v0  }
0xd1: {  	[tilespmem:s17+$0x5A50] =	vst v0  }
0xd2: {  	[tilespmem:s17+$0x5A60] =	vst v0  }
0xd3: {  	[tilespmem:s17+$0x5A70] =	vst v0  }
0xd4: {  	[tilespmem:s17+$0x5E00] =	vst v0  }
.Ltmp2:
0xd5: {  	[tilespmem:s17+$0x5E10] =	vst v0;
	(pc) =	sbr.rel @p0 .LBB2_6-.Ltmp2, $4  }
0xd6: {  	[tilespmem:s17+$0x5E20] =	vst v0  }
0xd7: {  	[tilespmem:s17+$0x5E30] =	vst v0  }
0xd8: {  	s18 =	sadd.s32 $0x80, s18;
	[tilespmem:s17+$0x5E40] =	vst v0  }
0xd9: {  	s20 =	sand.u32 $0x7000, s19;
	s19 =	sadd.s32 $0x200, s19;
	s21 =	sand.u32 $0x380, s18;
	[tilespmem:s17+$0x5E50] =	vst v0  }
0xda: {  	s18 =	sor.u32 s21, s20;
	[tilespmem:s17+$0x5E60] =	vst v0  }
0xdb: {  	[tilespmem:s18+$0x5E70] =	vst v0  }
0xdc: {  	[tilespmem:s18+$0x5200] =	vst v0  }
0xdd: {  	[tilespmem:s18+$0x5210] =	vst v0  }
0xde: {  	[tilespmem:s18+$0x5220] =	vst v0  }
0xdf: {  	[tilespmem:s18+$0x5230] =	vst v0  }
0xe0: {  	[tilespmem:s18+$0x5240] =	vst v0  }
0xe1: {  	[tilespmem:s18+$0x5250] =	vst v0  }
0xe2: {  	[tilespmem:s18+$0x5260] =	vst v0  }
0xe3: {  	[tilespmem:s18+$0x5270] =	vst v0  }
0xe4: {  	[tilespmem:s18+$0x5600] =	vst v0  }
0xe5: {  	[tilespmem:s18+$0x5610] =	vst v0  }
0xe6: {  	[tilespmem:s18+$0x5620] =	vst v0  }
0xe7: {  	[tilespmem:s18+$0x5630] =	vst v0  }
0xe8: {  	[tilespmem:s18+$0x5640] =	vst v0  }
0xe9: {  	[tilespmem:s18+$0x5650] =	vst v0  }
0xea: {  	[tilespmem:s18+$0x5660] =	vst v0  }
0xeb: {  	[tilespmem:s18+$0x5670] =	vst v0  }
0xec: {  	[tilespmem:s18+$0x5A00] =	vst v0  }
0xed: {  	[tilespmem:s18+$0x5A10] =	vst v0  }
0xee: {  	[tilespmem:s18+$0x5A20] =	vst v0  }
0xef: {  	[tilespmem:s18+$0x5A30] =	vst v0  }
0xf0: {  	[tilespmem:s18+$0x5A40] =	vst v0  }
0xf1: {  	[tilespmem:s18+$0x5A50] =	vst v0  }
0xf2: {  	[tilespmem:s18+$0x5A60] =	vst v0  }
0xf3: {  	[tilespmem:s18+$0x5A70] =	vst v0  }
0xf4: {  	[tilespmem:s18+$0x5E00] =	vst v0  }
0xf5: {  	[tilespmem:s18+$0x5E10] =	vst v0  }
0xf6: {  	[tilespmem:s18+$0x5E20] =	vst v0  }
0xf7: {  	[tilespmem:s18+$0x5E30] =	vst v0  }
0xf8: {  	[tilespmem:s18+$0x5E40] =	vst v0  }
0xf9: {  	[tilespmem:s18+$0x5E50] =	vst v0  }
0xfa: {  	s17 =	simm.s32 $0x20;
	[tilespmem:s18+$0x5E60] =	vst v0  }
.LBB2_8:
0xfb: {  	v3 =	vld [tilespmem:s17+$0xFFFFFFE0];
	_ =	sdelay $0x2  }
0xfc: {  	v4 =	vmov s16;
	v5 =	vor.u32 s16, v1  }
0xfd: {  	v4 =	vshll.u32 v4, $0x3;
	v5 =	vand.u32 $0x4F, v5  }
0xfe: {  	v4 =	vand.u32 $0xC00, v4;
	v6 =	vadd.s32 $0xFFFFFFD8, v3;
	v3 =	vshll.u32 v3, $0x7  }
0xff: {  	v4 =	vor.u32 v4, v5;
	v51 =	vshll.u32 v6, $0x9;
	v3 =	vand.u32 $0x380, v3  }
0x100: {  	vm0 =	vlt.u32 v6, $0x28;
	v5 =	vand.u32 $0xFFFFF000, v51;
	v3 =	vor.u32 v3, v4  }
0x101: {  	v3 =	vor.u32 v5, v3;
	_ =	sdelay $0x4  }
0x102: {  	[tilespmem:v3+s12+$0x0] =	vst.idx.msk vm0, v2  }
0x103: {  	v3 =	vld [tilespmem:s17+$0xFFFFFFF0];
	_ =	sdelay $0x1  }
0x104: {  	s18 =	sadd.s32 $0x10, s16  }
0x105: {  	v52 =	vmov s18;
	v53 =	vor.u32 s18, v1  }
0x106: {  	v4 =	vshll.u32 v52, $0x3;
	v5 =	vand.u32 $0x5F, v53  }
0x107: {  	v4 =	vand.u32 $0xC00, v4;
	v54 =	vadd.s32 $0xFFFFFFD8, v3;
	v3 =	vshll.u32 v3, $0x7  }
0x108: {  	v4 =	vor.u32 v4, v5;
	v55 =	vshll.u32 v54, $0x9;
	v3 =	vand.u32 $0x380, v3  }
0x109: {  	vm13 =	vlt.u32 v54, $0x28;
	v5 =	vand.u32 $0xFFFFF000, v55;
	v3 =	vor.u32 v3, v4  }
0x10a: {  	v3 =	vor.u32 v5, v3;
	_ =	sdelay $0x4  }
0x10b: {  	[tilespmem:v3+s12+$0x0] =	vst.idx.msk vm13, v2  }
0x10c: {  	v3 =	vld [tilespmem:s17+$0x0];
	_ =	sdelay $0x1  }
0x10d: {  	s30 =	sadd.s32 $0x20, s16  }
0x10e: {  	v56 =	vmov s30;
	v57 =	vor.u32 s30, v1  }
0x10f: {  	v4 =	vshll.u32 v56, $0x3;
	v5 =	vand.u32 $0x6F, v57  }
0x110: {  	v4 =	vand.u32 $0xC00, v4;
	v58 =	vadd.s32 $0xFFFFFFD8, v3;
	v3 =	vshll.u32 v3, $0x7  }
0x111: {  	v4 =	vor.u32 v4, v5;
	v59 =	vshll.u32 v58, $0x9;
	v3 =	vand.u32 $0x380, v3  }
0x112: {  	vm14 =	vlt.u32 v58, $0x28;
	v5 =	vand.u32 $0xFFFFF000, v59;
	v3 =	vor.u32 v3, v4  }
0x113: {  	v3 =	vor.u32 v5, v3;
	_ =	sdelay $0x4  }
0x114: {  	[tilespmem:v3+s12+$0x0] =	vst.idx.msk vm14, v2  }
0x115: {  	v3 =	vld [tilespmem:s17+$0x10];
	_ =	sdelay $0x1  }
0x116: {  	s31 =	sadd.s32 $0x30, s16  }
0x117: {  	v60 =	vmov s31;
	v61 =	vor.u32 s31, v1  }
0x118: {  	v4 =	vshll.u32 v60, $0x3;
	v5 =	vand.u32 $0x7F, v61  }
0x119: {  	v4 =	vand.u32 $0xC00, v4;
	v62 =	vadd.s32 $0xFFFFFFD8, v3;
	v3 =	vshll.u32 v3, $0x7  }
0x11a: {  	v4 =	vor.u32 v4, v5;
	v63 =	vshll.u32 v62, $0x9;
	v3 =	vand.u32 $0x380, v3  }
0x11b: {  	vm15 =	vlt.u32 v62, $0x28;
	v5 =	vand.u32 $0xFFFFF000, v63;
	v3 =	vor.u32 v3, v4  }
0x11c: {  	p0 =	sne.s32 s16, $0x1C0;
	v3 =	vor.u32 v5, v3  }
.Ltmp3:
0x11d: {  	_ = 	snop;
	(pc) =	sbr.rel @p0 .LBB2_8-.Ltmp3, $2  }
0x11e: {  	_ =	sdelay $0x2  }
0x11f: {  	s16 =	sadd.s32 $0x40, s16;
	s17 =	sadd.s32 $0x40, s17;
	[tilespmem:v3+s12+$0x0] =	vst.idx.msk vm15, v2  }
0x120: {  	[hbm4b:s5+s10] =	stream.strided.scatter [tilespmem:s12], [sflag:$0x2], $0x5000, s11, s10, $0x38;
	[tilespmem:$0xA200] =	vst v63  }
0x121: {  	s16 =	simm.s32 $0x1  }
.LBB2_10:
0x122: {  	s17 =	smul.u32 $0x50, s16  }
0x123: {  	_ =	swait.ge [sflag:s13], $0x5000  }
0x124: {  	[sflag:s13] =	ssyncset.done $0x0;
	s18 =	sadd.s32 $0xFFFFFFB0, s17  }
0x125: {  	s19 =	simm.s32 $0x20;
	[sflag:s13] =	ssyncadd.s32 $0xFFFFB000;
	v4 =	vmov s17;
	v3 =	vmov s18;
	s18 =	simm.s32 $0x0  }
.LBB2_11:
0x126: {  	v5 =	vld [tilespmem:s19+$0xFFFFFFE0];
	_ =	sdelay $0x3  }
0x127: {  	v6 =	vor.u32 s18, v1;
	v8 =	vmov s18  }
0x128: {  	v6 =	vand.u32 $0x4F, v6;
	v8 =	vshll.u32 v8, $0x3;
	v7 =	vsub.s32 v5, v3  }
0x129: {  	v9 =	vsub.s32 v5, v4;
	vm0 =	vlt.u32 v7, $0x28;
	v7 =	vshll.u32 v7, $0x9  }
0x12a: {  	v8 =	vand.u32 $0xC00, v8;
	v10 =	vshll.u32 v9, $0x9;
	v7 =	vand.u32 $0xFFFFF000, v7  }
0x12b: {  	v5 =	vshll.u32 v5, $0x7;
	v10 =	vand.u32 $0xFFFFF000, v10;
	v7 =	vor.u32 v7, v8  }
0x12c: {  	v5 =	vand.u32 $0x380, v5;
	v8 =	vor.u32 v10, v8;
	v7 =	vor.u32 v6, v7  }
0x12d: {  	vm1 =	vlt.u32 v9, $0x28;
	v6 =	vor.u32 v6, v8;
	v7 =	vor.u32 v5, v7  }
0x12e: {  	v5 =	vor.u32 v5, v6;
	_ =	sdelay $0x3  }
0x12f: {  	[tilespmem:v7+s9+$0x0] =	vst.idx.msk vm0, v0  }
0x130: {  	[tilespmem:v5+s9+$0x0] =	vst.idx.msk vm1, v2  }
0x131: {  	v5 =	vld [tilespmem:s19+$0xFFFFFFF0];
	_ =	sdelay $0x1  }
0x132: {  	s20 =	sadd.s32 $0x10, s18  }
0x133: {  	v55 =	vmov s20  }
0x134: {  	v8 =	vshll.u32 v55, $0x3  }
0x135: {  	v6 =	vor.u32 s20, v1;
	v8 =	vand.u32 $0xC00, v8;
	v7 =	vsub.s32 v5, v3  }
0x136: {  	v56 =	vsub.s32 v5, v4;
	vm10 =	vlt.u32 v7, $0x28;
	v7 =	vshll.u32 v7, $0x9  }
0x137: {  	v6 =	vand.u32 $0x5F, v6;
	v57 =	vshll.u32 v56, $0x9;
	v7 =	vand.u32 $0xFFFFF000, v7  }
0x138: {  	v5 =	vshll.u32 v5, $0x7;
	v10 =	vand.u32 $0xFFFFF000, v57;
	v7 =	vor.u32 v7, v8  }
0x139: {  	v5 =	vand.u32 $0x380, v5;
	v8 =	vor.u32 v10, v8;
	v7 =	vor.u32 v6, v7  }
0x13a: {  	vm11 =	vlt.u32 v56, $0x28;
	v6 =	vor.u32 v6, v8;
	v7 =	vor.u32 v5, v7  }
0x13b: {  	v5 =	vor.u32 v5, v6;
	_ =	sdelay $0x3  }
0x13c: {  	[tilespmem:v7+s9+$0x0] =	vst.idx.msk vm10, v0  }
0x13d: {  	[tilespmem:v5+s9+$0x0] =	vst.idx.msk vm11, v2  }
0x13e: {  	v5 =	vld [tilespmem:s19+$0x0];
	_ =	sdelay $0x1  }
0x13f: {  	s30 =	sadd.s32 $0x20, s18  }
0x140: {  	v58 =	vmov s30  }
0x141: {  	v8 =	vshll.u32 v58, $0x3  }
0x142: {  	v6 =	vor.u32 s30, v1;
	v8 =	vand.u32 $0xC00, v8;
	v7 =	vsub.s32 v5, v3  }
0x143: {  	v59 =	vsub.s32 v5, v4;
	vm12 =	vlt.u32 v7, $0x28;
	v7 =	vshll.u32 v7, $0x9  }
0x144: {  	v6 =	vand.u32 $0x6F, v6;
	v60 =	vshll.u32 v59, $0x9;
	v7 =	vand.u32 $0xFFFFF000, v7  }
0x145: {  	v5 =	vshll.u32 v5, $0x7;
	v10 =	vand.u32 $0xFFFFF000, v60;
	v7 =	vor.u32 v7, v8  }
0x146: {  	v5 =	vand.u32 $0x380, v5;
	v8 =	vor.u32 v10, v8;
	v7 =	vor.u32 v6, v7  }
0x147: {  	vm13 =	vlt.u32 v59, $0x28;
	v6 =	vor.u32 v6, v8;
	v7 =	vor.u32 v5, v7  }
0x148: {  	v5 =	vor.u32 v5, v6;
	_ =	sdelay $0x3  }
0x149: {  	[tilespmem:v7+s9+$0x0] =	vst.idx.msk vm12, v0  }
0x14a: {  	[tilespmem:v5+s9+$0x0] =	vst.idx.msk vm13, v2  }
0x14b: {  	v5 =	vld [tilespmem:s19+$0x10];
	_ =	sdelay $0x1  }
0x14c: {  	s31 =	sadd.s32 $0x30, s18  }
0x14d: {  	v61 =	vmov s31  }
0x14e: {  	v8 =	vshll.u32 v61, $0x3  }
0x14f: {  	v6 =	vor.u32 s31, v1;
	v8 =	vand.u32 $0xC00, v8;
	v7 =	vsub.s32 v5, v3  }
0x150: {  	v62 =	vsub.s32 v5, v4;
	vm14 =	vlt.u32 v7, $0x28;
	v7 =	vshll.u32 v7, $0x9  }
0x151: {  	v6 =	vand.u32 $0x7F, v6;
	v63 =	vshll.u32 v62, $0x9;
	v7 =	vand.u32 $0xFFFFF000, v7  }
0x152: {  	v5 =	vshll.u32 v5, $0x7;
	v10 =	vand.u32 $0xFFFFF000, v63;
	v7 =	vor.u32 v7, v8  }
0x153: {  	v5 =	vand.u32 $0x380, v5;
	v8 =	vor.u32 v10, v8;
	v7 =	vor.u32 v6, v7  }
0x154: {  	vm15 =	vlt.u32 v62, $0x28;
	v6 =	vor.u32 v6, v8;
	v7 =	vor.u32 v5, v7  }
0x155: {  	p0 =	sne.s32 s18, $0x1C0;
	v5 =	vor.u32 v5, v6  }
.Ltmp4:
0x156: {  	_ = 	snop;
	(pc) =	sbr.rel @p0 .LBB2_11-.Ltmp4, $3  }
0x157: {  	_ =	sdelay $0x1  }
0x158: {  	[tilespmem:v7+s9+$0x0] =	vst.idx.msk vm14, v0  }
0x159: {  	s18 =	sadd.s32 $0x40, s18;
	s19 =	sadd.s32 $0x40, s19;
	[tilespmem:v5+s9+$0x0] =	vst.idx.msk vm15, v2  }
0x15a: {  	s18 =	smul.u32 $0x28000, s16;
	_ =	sdelay $0x1  }
0x15b: {  	s18 =	sadd.s32 s18, s3  }
0x15c: {  	[hbm4b:s18+s10] =	stream.strided.scatter [tilespmem:s9], [sflag:$0x1], $0x5000, s11, s10, $0x38;
	[tilespmem:$0xA200] =	vst v63  }
0x15d: {  	_ =	swait.ge [sflag:s14], $0x5000  }
0x15e: {  	s31 =	sadd.s32 $0xFFFFFFD8, s17;
	s18 =	sadd.s32 $0x28, s17;
	[sflag:s14] =	ssyncset.done $0x0  }
0x15f: {  	s19 =	simm.s32 $0x20;
	v3 =	vmov s31;
	s17 =	simm.s32 $0x0;
	v4 =	vmov s18;
	[sflag:s14] =	ssyncadd.s32 $0xFFFFB000  }
.LBB2_13:
0x160: {  	v5 =	vld [tilespmem:s19+$0xFFFFFFE0];
	_ =	sdelay $0x3  }
0x161: {  	v6 =	vor.u32 s17, v1;
	v8 =	vmov s17  }
0x162: {  	v6 =	vand.u32 $0x4F, v6;
	v8 =	vshll.u32 v8, $0x3;
	v7 =	vsub.s32 v5, v3  }
0x163: {  	v9 =	vsub.s32 v5, v4;
	vm0 =	vlt.u32 v7, $0x28;
	v7 =	vshll.u32 v7, $0x9  }
0x164: {  	v8 =	vand.u32 $0xC00, v8;
	v10 =	vshll.u32 v9, $0x9;
	v7 =	vand.u32 $0xFFFFF000, v7  }
0x165: {  	v5 =	vshll.u32 v5, $0x7;
	v10 =	vand.u32 $0xFFFFF000, v10;
	v7 =	vor.u32 v7, v8  }
0x166: {  	v5 =	vand.u32 $0x380, v5;
	v8 =	vor.u32 v10, v8;
	v7 =	vor.u32 v6, v7  }
0x167: {  	vm1 =	vlt.u32 v9, $0x28;
	v6 =	vor.u32 v6, v8;
	v7 =	vor.u32 v5, v7  }
0x168: {  	v5 =	vor.u32 v5, v6;
	_ =	sdelay $0x3  }
0x169: {  	[tilespmem:v7+s12+$0x0] =	vst.idx.msk vm0, v0  }
0x16a: {  	[tilespmem:v5+s12+$0x0] =	vst.idx.msk vm1, v2  }
0x16b: {  	v5 =	vld [tilespmem:s19+$0xFFFFFFF0];
	_ =	sdelay $0x1  }
0x16c: {  	s20 =	sadd.s32 $0x10, s17  }
0x16d: {  	v55 =	vmov s20  }
0x16e: {  	v8 =	vshll.u32 v55, $0x3  }
0x16f: {  	v6 =	vor.u32 s20, v1;
	v8 =	vand.u32 $0xC00, v8;
	v7 =	vsub.s32 v5, v3  }
0x170: {  	v56 =	vsub.s32 v5, v4;
	vm10 =	vlt.u32 v7, $0x28;
	v7 =	vshll.u32 v7, $0x9  }
0x171: {  	v6 =	vand.u32 $0x5F, v6;
	v57 =	vshll.u32 v56, $0x9;
	v7 =	vand.u32 $0xFFFFF000, v7  }
0x172: {  	v5 =	vshll.u32 v5, $0x7;
	v10 =	vand.u32 $0xFFFFF000, v57;
	v7 =	vor.u32 v7, v8  }
0x173: {  	v5 =	vand.u32 $0x380, v5;
	v8 =	vor.u32 v10, v8;
	v7 =	vor.u32 v6, v7  }
0x174: {  	vm11 =	vlt.u32 v56, $0x28;
	v6 =	vor.u32 v6, v8;
	v7 =	vor.u32 v5, v7  }
0x175: {  	v5 =	vor.u32 v5, v6;
	_ =	sdelay $0x3  }
0x176: {  	[tilespmem:v7+s12+$0x0] =	vst.idx.msk vm10, v0  }
0x177: {  	[tilespmem:v5+s12+$0x0] =	vst.idx.msk vm11, v2  }
0x178: {  	v5 =	vld [tilespmem:s19+$0x0];
	_ =	sdelay $0x1  }
0x179: {  	s30 =	sadd.s32 $0x20, s17  }
0x17a: {  	v58 =	vmov s30  }
0x17b: {  	v8 =	vshll.u32 v58, $0x3  }
0x17c: {  	v6 =	vor.u32 s30, v1;
	v8 =	vand.u32 $0xC00, v8;
	v7 =	vsub.s32 v5, v3  }
0x17d: {  	v59 =	vsub.s32 v5, v4;
	vm12 =	vlt.u32 v7, $0x28;
	v7 =	vshll.u32 v7, $0x9  }
0x17e: {  	v6 =	vand.u32 $0x6F, v6;
	v60 =	vshll.u32 v59, $0x9;
	v7 =	vand.u32 $0xFFFFF000, v7  }
0x17f: {  	v5 =	vshll.u32 v5, $0x7;
	v10 =	vand.u32 $0xFFFFF000, v60;
	v7 =	vor.u32 v7, v8  }
0x180: {  	v5 =	vand.u32 $0x380, v5;
	v8 =	vor.u32 v10, v8;
	v7 =	vor.u32 v6, v7  }
0x181: {  	vm13 =	vlt.u32 v59, $0x28;
	v6 =	vor.u32 v6, v8;
	v7 =	vor.u32 v5, v7  }
0x182: {  	v5 =	vor.u32 v5, v6;
	_ =	sdelay $0x3  }
0x183: {  	[tilespmem:v7+s12+$0x0] =	vst.idx.msk vm12, v0  }
0x184: {  	[tilespmem:v5+s12+$0x0] =	vst.idx.msk vm13, v2  }
0x185: {  	v5 =	vld [tilespmem:s19+$0x10];
	_ =	sdelay $0x1  }
0x186: {  	s31 =	sadd.s32 $0x30, s17  }
0x187: {  	v61 =	vmov s31  }
0x188: {  	v8 =	vshll.u32 v61, $0x3  }
0x189: {  	v6 =	vor.u32 s31, v1;
	v8 =	vand.u32 $0xC00, v8;
	v7 =	vsub.s32 v5, v3  }
0x18a: {  	v62 =	vsub.s32 v5, v4;
	vm14 =	vlt.u32 v7, $0x28;
	v7 =	vshll.u32 v7, $0x9  }
0x18b: {  	v6 =	vand.u32 $0x7F, v6;
	v63 =	vshll.u32 v62, $0x9;
	v7 =	vand.u32 $0xFFFFF000, v7  }
0x18c: {  	v5 =	vshll.u32 v5, $0x7;
	v10 =	vand.u32 $0xFFFFF000, v63;
	v7 =	vor.u32 v7, v8  }
0x18d: {  	v5 =	vand.u32 $0x380, v5;
	v8 =	vor.u32 v10, v8;
	v7 =	vor.u32 v6, v7  }
0x18e: {  	vm15 =	vlt.u32 v62, $0x28;
	v6 =	vor.u32 v6, v8;
	v7 =	vor.u32 v5, v7  }
0x18f: {  	p0 =	sne.s32 s17, $0x1C0;
	v5 =	vor.u32 v5, v6  }
.Ltmp5:
0x190: {  	_ = 	snop;
	(pc) =	sbr.rel @p0 .LBB2_13-.Ltmp5, $3  }
0x191: {  	_ =	sdelay $0x1  }
0x192: {  	[tilespmem:v7+s12+$0x0] =	vst.idx.msk vm14, v0  }
0x193: {  	s17 =	sadd.s32 $0x40, s17;
	s19 =	sadd.s32 $0x40, s19;
	[tilespmem:v5+s12+$0x0] =	vst.idx.msk vm15, v2  }
0x194: {  	s16 =	sadd.s32 $0x1, s16  }
0x195: {  	p0 =	sne.s32 s16, $0xC  }
.Ltmp6:
0x196: {  	_ = 	snop;
	(pc) =	sbr.rel @p0 .LBB2_10-.Ltmp6, $4  }
0x197: {  	_ = 	snop  }
0x198: {  	s17 =	sshll.u32 s18, $0xB  }
0x199: {  	s17 =	sadd.s32 s17, s3  }
0x19a: {  	[hbm4b:s17+s10] =	stream.strided.scatter [tilespmem:s12], [sflag:$0x2], $0x5000, s11, s10, $0x38;
	[tilespmem:$0xA200] =	vst v63  }
0x19b: {  	_ =	swait.ge [sflag:s13], $0x5000  }
0x19c: {  	[sflag:s13] =	ssyncset.done $0x0  }
0x19d: {  	s16 =	simm.s32 $0x0;
	s17 =	simm.s32 $0x20;
	[sflag:s13] =	ssyncadd.s32 $0xFFFFB000  }
.LBB2_16:
0x19e: {  	v3 =	vld [tilespmem:s17+$0xFFFFFFE0];
	_ =	sdelay $0x3  }
0x19f: {  	v4 =	vor.u32 s16, v1;
	v6 =	vmov s16  }
0x1a0: {  	v4 =	vand.u32 $0x4F, v4;
	v6 =	vshll.u32 v6, $0x3;
	v5 =	vadd.s32 $0xFFFFFC90, v3  }
0x1a1: {  	v7 =	vadd.s32 $0xFFFFFC40, v3;
	vm0 =	vlt.u32 v5, $0x28;
	v5 =	vshll.u32 v5, $0x9  }
0x1a2: {  	v6 =	vand.u32 $0xC00, v6;
	v8 =	vshll.u32 v7, $0x9;
	v5 =	vand.u32 $0xFFFFF000, v5  }
0x1a3: {  	v3 =	vshll.u32 v3, $0x7;
	v8 =	vand.u32 $0xFFFFF000, v8;
	v5 =	vor.u32 v5, v6  }
0x1a4: {  	v3 =	vand.u32 $0x380, v3;
	v6 =	vor.u32 v8, v6;
	v5 =	vor.u32 v4, v5  }
0x1a5: {  	vm1 =	vlt.u32 v7, $0x28;
	v4 =	vor.u32 v4, v6;
	v5 =	vor.u32 v3, v5  }
0x1a6: {  	v3 =	vor.u32 v3, v4;
	_ =	sdelay $0x3  }
0x1a7: {  	[tilespmem:v5+s9+$0x0] =	vst.idx.msk vm0, v0  }
0x1a8: {  	[tilespmem:v3+s9+$0x0] =	vst.idx.msk vm1, v2  }
0x1a9: {  	v3 =	vld [tilespmem:s17+$0xFFFFFFF0];
	_ =	sdelay $0x2  }
0x1aa: {  	s18 =	sadd.s32 $0x10, s16  }
0x1ab: {  	v49 =	vor.u32 s18, v1;
	v51 =	vmov s18  }
0x1ac: {  	v6 =	vshll.u32 v51, $0x3;
	v4 =	vand.u32 $0x5F, v49;
	v50 =	vadd.s32 $0xFFFFFC90, v3  }
0x1ad: {  	v6 =	vand.u32 $0xC00, v6;
	v52 =	vadd.s32 $0xFFFFFC40, v3;
	v5 =	vshll.u32 v50, $0x9  }
0x1ae: {  	v3 =	vshll.u32 v3, $0x7;
	v53 =	vshll.u32 v52, $0x9;
	v5 =	vand.u32 $0xFFFFF000, v5  }
0x1af: {  	vm10 =	vlt.u32 v50, $0x28;
	v8 =	vand.u32 $0xFFFFF000, v53;
	v5 =	vor.u32 v5, v6  }
0x1b0: {  	v3 =	vand.u32 $0x380, v3;
	v6 =	vor.u32 v8, v6;
	v5 =	vor.u32 v4, v5  }
0x1b1: {  	vm11 =	vlt.u32 v52, $0x28;
	v4 =	vor.u32 v4, v6;
	v5 =	vor.u32 v3, v5  }
0x1b2: {  	v3 =	vor.u32 v3, v4;
	_ =	sdelay $0x3  }
0x1b3: {  	[tilespmem:v5+s9+$0x0] =	vst.idx.msk vm10, v0  }
0x1b4: {  	[tilespmem:v3+s9+$0x0] =	vst.idx.msk vm11, v2  }
0x1b5: {  	v3 =	vld [tilespmem:s17+$0x0];
	_ =	sdelay $0x2  }
0x1b6: {  	s30 =	sadd.s32 $0x20, s16  }
0x1b7: {  	v54 =	vor.u32 s30, v1;
	v56 =	vmov s30  }
0x1b8: {  	v6 =	vshll.u32 v56, $0x3;
	v4 =	vand.u32 $0x6F, v54;
	v55 =	vadd.s32 $0xFFFFFC90, v3  }
0x1b9: {  	v6 =	vand.u32 $0xC00, v6;
	v57 =	vadd.s32 $0xFFFFFC40, v3;
	v5 =	vshll.u32 v55, $0x9  }
0x1ba: {  	v3 =	vshll.u32 v3, $0x7;
	v58 =	vshll.u32 v57, $0x9;
	v5 =	vand.u32 $0xFFFFF000, v5  }
0x1bb: {  	vm12 =	vlt.u32 v55, $0x28;
	v8 =	vand.u32 $0xFFFFF000, v58;
	v5 =	vor.u32 v5, v6  }
0x1bc: {  	v3 =	vand.u32 $0x380, v3;
	v6 =	vor.u32 v8, v6;
	v5 =	vor.u32 v4, v5  }
0x1bd: {  	vm13 =	vlt.u32 v57, $0x28;
	v4 =	vor.u32 v4, v6;
	v5 =	vor.u32 v3, v5  }
0x1be: {  	v3 =	vor.u32 v3, v4;
	_ =	sdelay $0x3  }
0x1bf: {  	[tilespmem:v5+s9+$0x0] =	vst.idx.msk vm12, v0  }
0x1c0: {  	[tilespmem:v3+s9+$0x0] =	vst.idx.msk vm13, v2  }
0x1c1: {  	v3 =	vld [tilespmem:s17+$0x10];
	_ =	sdelay $0x2  }
0x1c2: {  	s31 =	sadd.s32 $0x30, s16  }
0x1c3: {  	v59 =	vor.u32 s31, v1;
	v61 =	vmov s31  }
0x1c4: {  	v6 =	vshll.u32 v61, $0x3;
	v4 =	vand.u32 $0x7F, v59;
	v60 =	vadd.s32 $0xFFFFFC90, v3  }
0x1c5: {  	v6 =	vand.u32 $0xC00, v6;
	v62 =	vadd.s32 $0xFFFFFC40, v3;
	v5 =	vshll.u32 v60, $0x9  }
0x1c6: {  	v3 =	vshll.u32 v3, $0x7;
	v63 =	vshll.u32 v62, $0x9;
	v5 =	vand.u32 $0xFFFFF000, v5  }
0x1c7: {  	vm14 =	vlt.u32 v60, $0x28;
	v8 =	vand.u32 $0xFFFFF000, v63;
	v5 =	vor.u32 v5, v6  }
0x1c8: {  	v3 =	vand.u32 $0x380, v3;
	v6 =	vor.u32 v8, v6;
	v5 =	vor.u32 v4, v5  }
0x1c9: {  	vm15 =	vlt.u32 v62, $0x28;
	v4 =	vor.u32 v4, v6;
	v5 =	vor.u32 v3, v5  }
0x1ca: {  	p0 =	sne.s32 s16, $0x1C0;
	v3 =	vor.u32 v3, v4  }
.Ltmp7:
0x1cb: {  	_ = 	snop;
	(pc) =	sbr.rel @p0 .LBB2_16-.Ltmp7, $3  }
0x1cc: {  	_ =	sdelay $0x1  }
0x1cd: {  	[tilespmem:v5+s9+$0x0] =	vst.idx.msk vm14, v0  }
0x1ce: {  	s16 =	sadd.s32 $0x40, s16;
	s17 =	sadd.s32 $0x40, s17;
	[tilespmem:v3+s9+$0x0] =	vst.idx.msk vm15, v2  }
0x1cf: {  	[hbm4b:s6+s10] =	stream.strided.scatter [tilespmem:s9], [sflag:$0x1], $0x5000, s11, s10, $0x38;
	[tilespmem:$0xA200] =	vst v63  }
0x1d0: {  	s15 =	sadd.s32 $0x1, s15  }
0x1d1: {  	_ =	swait.ge [sflag:s13], $0x5000;
	p0 =	sne.s32 s15, s7  }
.Ltmp8:
0x1d2: {  	[sflag:s13] =	ssyncset.done $0x0;
	(pc) =	sbr.rel @p0 .LBB2_1-.Ltmp8, $4  }
0x1d3: {  	[sflag:s13] =	ssyncadd.s32 $0xFFFFB000  }
0x1d4: {  	_ =	swait.ge [sflag:s14], $0x5000  }
0x1d5: {  	[sflag:s14] =	ssyncset.done $0x0  }
0x1d6: {  	[sflag:s14] =	ssyncadd.s32 $0xFFFFB000  }
0x1d7: {  	_ =	sfence.sel $0x180000  }
0x1d8: {  	[bflag:$0x0] =	sbarrier.arrive $0xFFFF  }
0x1d9: {  	p0 =	sne.s32 s1, $0x0;
	_ =	strace $0x90000047  }
0x1da: {  	s0 =	sadd.s32 @!p0 $0x100000, s0;
	[bflag:$0x2] =	sbarrier.arrive $0xFFFF  }
0x1db: {  	[sflag:s0] =	ssyncadd.tile.s32 @!p0 $0x1;
	_ =	shalt  }
.Lfunc_end2:
_tile_overlayer_lowered:
.L_overlay_start_2:
0x1dc: {  	(tag) =	ssettag $0x2  }
0x1dd: {  	s0 =	rddreg [dreg:$0x0];
	s2 =	stileid.u32  }
0x1de: {  	s1 =	rddreg [dreg:$0x1];
	p0 =	sne.s32 s2, $0x0  }
0x1df: {  	s3 =	rddreg [dreg:$0x2];
	[bflag:$0x3] =	sbarrier.arrive $0xFFFF;
	s2 =	simm.s32 @!p0 $0x1C04  }
0x1e0: {  	[timem:s3], [sflag:s2] =	dma.local @!p0 [hbm:s0], s1  }
0x1e1: {  	s0 =	simm.s32 @!p0 $0x4  }
0x1e2: {  	_ =	swait.ge @!p0 [sflag:s0], s1  }
0x1e3: {  	s1 =	ssub.s32 @!p0 $0x0, s1;
	[sflag:s0] =	ssyncset.done @!p0 $0x0  }
0x1e4: {  	[sflag:s0] =	ssyncadd.s32 @!p0 s1  }
0x1e5: {  	[bflag:$0x3] =	sbarrier.arrive $0xFFFF  }
0x1e6: {  	_ =	shalt  }

</sc_bundles>
